<compile_context>
chip_gen: v7x
topology: tpu7x:2x2x1
jax: 0.10.2.dev20260603
libtpu: 0.0.44.dev20260713+nightly
codegen_flags: <defaults>
</compile_context>

<pallas_src>
import functools

import jax
import jax.numpy as jnp
from jax import lax
from jax.experimental import pallas as pl
from jax.experimental.pallas import tpu as pltpu
from jax.experimental.pallas import tpu_sc as plsc

NC, NS, L = 2, 16, 16
NW = NC * NS
R, C, K = 16384, 200, 5
RW = R // NW
CB = 8
N_CH = C // CB
RING = N_CH - 1

_mesh = plsc.VectorSubcoreMesh(core_axis_name="c", subcore_axis_name="s")


@functools.partial(
    pl.kernel,
    out_type=jax.ShapeDtypeStruct((K, C, R), jnp.int32),
    mesh=_mesh,
    compiler_params=pltpu.CompilerParams(needs_layout_passes=False),
    scratch_types=[
        pltpu.VMEM((CB, RW), jnp.int32),
        pltpu.VMEM((CB, RW), jnp.int32),
        pltpu.VMEM((K, CB, RW), jnp.int32),
        pltpu.VMEM((K, CB, RW), jnp.int32),
        pltpu.SemaphoreType.DMA,
        pltpu.SemaphoreType.DMA,
        pltpu.SemaphoreType.DMA,
        pltpu.SemaphoreType.DMA,
    ],
)
def _sc_onehot(xt_hbm, out_hbm, in0, in1, out0, out1, si0, si1, so0, so1):
    wid = lax.axis_index("s") * NC + lax.axis_index("c")
    r0 = pl.multiple_of(wid * RW, RW)
    kvs = [jnp.full((L,), k, jnp.int32) for k in range(K)]
    one = jnp.full((L,), 1, jnp.int32)
    zero = jnp.full((L,), 0, jnp.int32)
    bufs = [(in0, si0, out0, so0), (in1, si1, out1, so1)]

    def in_desc(ch, b):
        ib, isem = bufs[b][0], bufs[b][1]
        return pltpu.make_async_copy(
            xt_hbm.at[pl.ds(CB * ch, CB), pl.ds(r0, RW)], ib, isem)

    def in_copy(ch, b):
        in_desc(ch, b).start()

    def out_desc(ch, b, k):
        ob, osem = bufs[b][2], bufs[b][3]
        return pltpu.make_async_copy(
            ob.at[k], out_hbm.at[k, pl.ds(CB * ch, CB), pl.ds(r0, RW)], osem)

    def out_copy(ch, b, k):
        out_desc(ch, b, k).start()

    def compute(b):
        ib, ob = bufs[b][0], bufs[b][2]

        def cbody(ci, carry):
            def jbody(j, carry2):
                v = ib[ci, pl.ds(j * L, L)]
                for k in range(K):
                    ob[k, ci, pl.ds(j * L, L)] = jnp.where(
                        v == kvs[k], one, zero)
                return carry2
            lax.fori_loop(0, RW // L, jbody, 0, unroll=2)
            return carry

        lax.fori_loop(0, CB, cbody, 0)

    in_copy(0, 0)
    in_copy(1, 1)

    def ring_body(i, carry):
        ch0 = i * 2
        for b in (0, 1):
            ch = ch0 + b
            in_desc(ch, b).wait()

            @pl.when(ch >= 2)
            def _():
                for k in range(K):
                    out_desc(ch - 2, b, k).wait()

            compute(b)
            for k in range(K):
                out_copy(ch, b, k)
            nxt = lax.rem(ch + 2, N_CH)
            in_copy(nxt, b)
        return carry

    lax.fori_loop(0, RING // 2, ring_body, 0)

    in_desc(N_CH - 1, 0).wait()
    for k in range(K):
        out_desc(N_CH - 3, 0, k).wait()
    compute(0)
    for k in range(K):
        out_copy(N_CH - 1, 0, k)
    for k in range(K):
        out_desc(N_CH - 2, 1, k).wait()
    in_desc(0, 1).wait()
    for k in range(K):
        out_desc(N_CH - 1, 0, k).wait()


def kernel(x):
    out_t = _sc_onehot(x.T)
    return out_t.transpose(2, 1, 0)

# --- scband reference (transcript-rebuilt; emitter-appended) ---
"""Pipeline reference for scband-one-hot-module-6399501271760 (READ-ONLY COPY).

The authoritative reference and input builder live on the scoring server;
editing this copy changes nothing except your own understanding.
"""

import jax, jax.numpy as jnp
import numpy as np

def setup_inputs(seed: int = 0) -> dict:
    key = jax.random.key(seed)
    x = jax.random.randint(key, (16384, 200), 0, 5, dtype=jnp.int64)
    return {"x": x}

def reference(x) -> jnp.ndarray:
    # torch.nn.functional.one_hot(x, num_classes=5) returns int64 one-hot
    out = (x[..., None] == jnp.arange(5, dtype=x.dtype)).astype(jnp.int64)
    return out

if __name__ == "__main__":
    import jax
    _d = setup_inputs()
    print(jax.jit(kernel)(*tuple(_d.values())))

</pallas_src>

<mosaic_0001>
#map = affine_map<(d0, d1) -> (0, 0)>
#map1 = affine_map<(d0, d1) -> (0, 0, 0)>
module attributes {stable_mosaic.version = 14 : i64} {
  func.func @_sc_onehot(%arg0: i32, %arg1: i32, %arg2: memref<200x16384xi32, #tpu.memory_space<hbm>>, %arg3: memref<5x200x16384xi32, #tpu.memory_space<hbm>>, %arg4: memref<8x512xi32, #tpu.memory_space<vmem>>, %arg5: memref<8x512xi32, #tpu.memory_space<vmem>>, %arg6: memref<5x8x512xi32, #tpu.memory_space<vmem>>, %arg7: memref<5x8x512xi32, #tpu.memory_space<vmem>>, %arg8: memref<!tpu.dma_semaphore, #tpu.memory_space<semaphore_mem>>, %arg9: memref<!tpu.dma_semaphore, #tpu.memory_space<semaphore_mem>>, %arg10: memref<!tpu.dma_semaphore, #tpu.memory_space<semaphore_mem>>, %arg11: memref<!tpu.dma_semaphore, #tpu.memory_space<semaphore_mem>>) attributes {dimension_semantics = [#tpu.dimension_semantics<core_parallel>, #tpu.dimension_semantics<subcore_parallel>], iteration_bounds = array<i64: 2, 16>, scalar_prefetch = 0 : i64, scratch_operands = 8 : i64, tpu.core_type = #tpu.core_type<sc_vector_subcore>, window_params = [{transform_indices = #map}, {transform_indices = #map1}]} {
    %mul3A = arith.constant 2 : i32
    %mul3A_0 = arith.muli %arg1, %mul3A : i32
    %add3A = arith.addi %mul3A_0, %arg0 : i32
    %mul3A_1 = arith.constant 512 : i32
    %mul3A_2 = arith.muli %add3A, %mul3A_1 : i32
    %multiple_of3A = tpu.assume_multiple %mul3A_2, 512 : i32
    %broadcast_in_dim3A = arith.constant 0 : i32
    %broadcast_in_dim3A_3 = vector.broadcast %broadcast_in_dim3A : i32 to vector<16xi32>
    %broadcast_in_dim3A_4 = arith.constant 1 : i32
    %broadcast_in_dim3A_5 = vector.broadcast %broadcast_in_dim3A_4 : i32 to vector<16xi32>
    %broadcast_in_dim3A_6 = arith.constant 2 : i32
    %broadcast_in_dim3A_7 = vector.broadcast %broadcast_in_dim3A_6 : i32 to vector<16xi32>
    %broadcast_in_dim3A_8 = arith.constant 3 : i32
    %broadcast_in_dim3A_9 = vector.broadcast %broadcast_in_dim3A_8 : i32 to vector<16xi32>
    %broadcast_in_dim3A_10 = arith.constant 4 : i32
    %broadcast_in_dim3A_11 = vector.broadcast %broadcast_in_dim3A_10 : i32 to vector<16xi32>
    %broadcast_in_dim3A_12 = arith.constant 1 : i32
    %broadcast_in_dim3A_13 = vector.broadcast %broadcast_in_dim3A_12 : i32 to vector<16xi32>
    %broadcast_in_dim3A_14 = arith.constant 0 : i32
    %broadcast_in_dim3A_15 = vector.broadcast %broadcast_in_dim3A_14 : i32 to vector<16xi32>
    %dma_start3A = arith.constant 0 : i32
    %dma_start3A_16 = tpu.memref_slice %arg2[%dma_start3A, %multiple_of3A] : memref<200x16384xi32, #tpu.memory_space<hbm>> -> memref<8x512xi32, #tpu.memory_space<hbm>>
    %dma_start3A_17 = arith.constant 0 : i32
    %dma_start3A_18 = tpu.memref_slice %arg2[%dma_start3A_17, %multiple_of3A] : memref<200x16384xi32, #tpu.memory_space<hbm>> -> memref<8x512xi32, #tpu.memory_space<hbm>>
    tpu.enqueue_dma source(%dma_start3A_18 : memref<8x512xi32, #tpu.memory_space<hbm>>) target(%arg4 : memref<8x512xi32, #tpu.memory_space<vmem>>) target_semaphore(%arg8 : memref<!tpu.dma_semaphore, #tpu.memory_space<semaphore_mem>>)
    %dma_start3A_19 = arith.constant 8 : i32
    %dma_start3A_20 = tpu.memref_slice %arg2[%dma_start3A_19, %multiple_of3A] : memref<200x16384xi32, #tpu.memory_space<hbm>> -> memref<8x512xi32, #tpu.memory_space<hbm>>
    %dma_start3A_21 = arith.constant 8 : i32
    %dma_start3A_22 = tpu.memref_slice %arg2[%dma_start3A_21, %multiple_of3A] : memref<200x16384xi32, #tpu.memory_space<hbm>> -> memref<8x512xi32, #tpu.memory_space<hbm>>
    tpu.enqueue_dma source(%dma_start3A_22 : memref<8x512xi32, #tpu.memory_space<hbm>>) target(%arg5 : memref<8x512xi32, #tpu.memory_space<vmem>>) target_semaphore(%arg9 : memref<!tpu.dma_semaphore, #tpu.memory_space<semaphore_mem>>)
    %scan3A = arith.constant 0 : i32
    %scan3A_23 = arith.constant 0 : i32
    %scan3A_24 = arith.constant 12 : i32
    %scan3A_25 = arith.addi %scan3A_23, %scan3A_24 : i32
    %scan3A_26 = arith.constant 1 : i32
    scf.for %scan3A_361 = %scan3A_23 to %scan3A_25 step %scan3A_26  : i32 {
      %mul3A_362 = arith.constant 2 : i32
      %mul3A_363 = arith.muli %scan3A_361, %mul3A_362 : i32
      %add3A_364 = arith.constant 0 : i32
      %add3A_365 = arith.addi %mul3A_363, %add3A_364 : i32
      %mul3A_366 = arith.constant 8 : i32
      %mul3A_367 = arith.muli %mul3A_366, %add3A_365 : i32
      %dma_wait3A_368 = tpu.memref_slice %arg2[%mul3A_367, %multiple_of3A] : memref<200x16384xi32, #tpu.memory_space<hbm>> -> memref<8x512xi32, #tpu.memory_space<hbm>>
      %dma_wait3A_369 = tpu.memref_slice %arg2[%mul3A_367, %multiple_of3A] : memref<200x16384xi32, #tpu.memory_space<hbm>> -> memref<8x512xi32, #tpu.memory_space<hbm>>
      tpu.wait_dma2 semaphore(%arg8 : memref<!tpu.dma_semaphore, #tpu.memory_space<semaphore_mem>>) src(%dma_wait3A_369 : memref<8x512xi32, #tpu.memory_space<hbm>>) dst(%arg4 : memref<8x512xi32, #tpu.memory_space<vmem>>)
      %ge3A = arith.constant 2 : i32
      %ge3A_370 = arith.cmpi sge, %add3A_365, %ge3A : i32
      %convert_element_type3A = arith.extui %ge3A_370 : i1 to i32
      %cond3A = arith.constant 0 : i32
      %cond3A_371 = arith.cmpi ne, %convert_element_type3A, %cond3A : i32
      scf.if %cond3A_371 {
        %sub3A = arith.constant 2 : i32
        %sub3A_570 = arith.subi %add3A_365, %sub3A : i32
        %mul3A_571 = arith.constant 8 : i32
        %mul3A_572 = arith.muli %mul3A_571, %sub3A_570 : i32
        %dma_wait3A_573 = arith.constant 0 : i32
        %dma_wait3A_574 = arith.constant 0 : i32
        %dma_wait3A_575 = arith.constant 0 : i32
        %dma_wait3A_576 = arith.constant 0 : i32
        %dma_wait3A_577 = tpu.memref_slice %arg6[%dma_wait3A_573, %dma_wait3A_575, %dma_wait3A_576] : memref<5x8x512xi32, #tpu.memory_space<vmem>> -> memref<1x8x512xi32, #tpu.memory_space<vmem>>
        %dma_wait3A_578 = tpu.memref_squeeze %dma_wait3A_577 : memref<1x8x512xi32, #tpu.memory_space<vmem>> -> memref<8x512xi32, #tpu.memory_space<vmem>>
        %dma_wait3A_579 = tpu.memref_slice %arg3[%dma_wait3A_574, %mul3A_572, %multiple_of3A] : memref<5x200x16384xi32, #tpu.memory_space<hbm>> -> memref<1x8x512xi32, #tpu.memory_space<hbm>>
        %dma_wait3A_580 = tpu.memref_squeeze %dma_wait3A_579 : memref<1x8x512xi32, #tpu.memory_space<hbm>> -> memref<8x512xi32, #tpu.memory_space<hbm>>
        %dma_wait3A_581 = tpu.memref_slice %arg3[%dma_wait3A_574, %mul3A_572, %multiple_of3A] : memref<5x200x16384xi32, #tpu.memory_space<hbm>> -> memref<1x8x512xi32, #tpu.memory_space<hbm>>
        %dma_wait3A_582 = tpu.memref_squeeze %dma_wait3A_581 : memref<1x8x512xi32, #tpu.memory_space<hbm>> -> memref<8x512xi32, #tpu.memory_space<hbm>>
        %dma_wait3A_583 = arith.constant 0 : i32
        %dma_wait3A_584 = arith.constant 0 : i32
        %dma_wait3A_585 = tpu.memref_slice %arg6[%dma_wait3A_573, %dma_wait3A_583, %dma_wait3A_584] : memref<5x8x512xi32, #tpu.memory_space<vmem>> -> memref<1x8x512xi32, #tpu.memory_space<vmem>>
        %dma_wait3A_586 = tpu.memref_squeeze %dma_wait3A_585 : memref<1x8x512xi32, #tpu.memory_space<vmem>> -> memref<8x512xi32, #tpu.memory_space<vmem>>
        tpu.wait_dma2 semaphore(%arg10 : memref<!tpu.dma_semaphore, #tpu.memory_space<semaphore_mem>>) src(%dma_wait3A_586 : memref<8x512xi32, #tpu.memory_space<vmem>>) dst(%dma_wait3A_582 : memref<8x512xi32, #tpu.memory_space<hbm>>)
        %sub3A_587 = arith.constant 2 : i32
        %sub3A_588 = arith.subi %add3A_365, %sub3A_587 : i32
        %mul3A_589 = arith.constant 8 : i32
        %mul3A_590 = arith.muli %mul3A_589, %sub3A_588 : i32
        %dma_wait3A_591 = arith.constant 1 : i32
        %dma_wait3A_592 = arith.constant 1 : i32
        %dma_wait3A_593 = arith.constant 0 : i32
        %dma_wait3A_594 = arith.constant 0 : i32
        %dma_wait3A_595 = tpu.memref_slice %arg6[%dma_wait3A_591, %dma_wait3A_593, %dma_wait3A_594] : memref<5x8x512xi32, #tpu.memory_space<vmem>> -> memref<1x8x512xi32, #tpu.memory_space<vmem>>
        %dma_wait3A_596 = tpu.memref_squeeze %dma_wait3A_595 : memref<1x8x512xi32, #tpu.memory_space<vmem>> -> memref<8x512xi32, #tpu.memory_space<vmem>>
        %dma_wait3A_597 = tpu.memref_slice %arg3[%dma_wait3A_592, %mul3A_590, %multiple_of3A] : memref<5x200x16384xi32, #tpu.memory_space<hbm>> -> memref<1x8x512xi32, #tpu.memory_space<hbm>>
        %dma_wait3A_598 = tpu.memref_squeeze %dma_wait3A_597 : memref<1x8x512xi32, #tpu.memory_space<hbm>> -> memref<8x512xi32, #tpu.memory_space<hbm>>
        %dma_wait3A_599 = tpu.memref_slice %arg3[%dma_wait3A_592, %mul3A_590, %multiple_of3A] : memref<5x200x16384xi32, #tpu.memory_space<hbm>> -> memref<1x8x512xi32, #tpu.memory_space<hbm>>
        %dma_wait3A_600 = tpu.memref_squeeze %dma_wait3A_599 : memref<1x8x512xi32, #tpu.memory_space<hbm>> -> memref<8x512xi32, #tpu.memory_space<hbm>>
        %dma_wait3A_601 = arith.constant 0 : i32
        %dma_wait3A_602 = arith.constant 0 : i32
        %dma_wait3A_603 = tpu.memref_slice %arg6[%dma_wait3A_591, %dma_wait3A_601, %dma_wait3A_602] : memref<5x8x512xi32, #tpu.memory_space<vmem>> -> memref<1x8x512xi32, #tpu.memory_space<vmem>>
        %dma_wait3A_604 = tpu.memref_squeeze %dma_wait3A_603 : memref<1x8x512xi32, #tpu.memory_space<vmem>> -> memref<8x512xi32, #tpu.memory_space<vmem>>
        tpu.wait_dma2 semaphore(%arg10 : memref<!tpu.dma_semaphore, #tpu.memory_space<semaphore_mem>>) src(%dma_wait3A_604 : memref<8x512xi32, #tpu.memory_space<vmem>>) dst(%dma_wait3A_600 : memref<8x512xi32, #tpu.memory_space<hbm>>)
        %sub3A_605 = arith.constant 2 : i32
        %sub3A_606 = arith.subi %add3A_365, %sub3A_605 : i32
        %mul3A_607 = arith.constant 8 : i32
        %mul3A_608 = arith.muli %mul3A_607, %sub3A_606 : i32
        %dma_wait3A_609 = arith.constant 2 : i32
        %dma_wait3A_610 = arith.constant 2 : i32
        %dma_wait3A_611 = arith.constant 0 : i32
        %dma_wait3A_612 = arith.constant 0 : i32
        %dma_wait3A_613 = tpu.memref_slice %arg6[%dma_wait3A_609, %dma_wait3A_611, %dma_wait3A_612] : memref<5x8x512xi32, #tpu.memory_space<vmem>> -> memref<1x8x512xi32, #tpu.memory_space<vmem>>
        %dma_wait3A_614 = tpu.memref_squeeze %dma_wait3A_613 : memref<1x8x512xi32, #tpu.memory_space<vmem>> -> memref<8x512xi32, #tpu.memory_space<vmem>>
        %dma_wait3A_615 = tpu.memref_slice %arg3[%dma_wait3A_610, %mul3A_608, %multiple_of3A] : memref<5x200x16384xi32, #tpu.memory_space<hbm>> -> memref<1x8x512xi32, #tpu.memory_space<hbm>>
        %dma_wait3A_616 = tpu.memref_squeeze %dma_wait3A_615 : memref<1x8x512xi32, #tpu.memory_space<hbm>> -> memref<8x512xi32, #tpu.memory_space<hbm>>
        %dma_wait3A_617 = tpu.memref_slice %arg3[%dma_wait3A_610, %mul3A_608, %multiple_of3A] : memref<5x200x16384xi32, #tpu.memory_space<hbm>> -> memref<1x8x512xi32, #tpu.memory_space<hbm>>
        %dma_wait3A_618 = tpu.memref_squeeze %dma_wait3A_617 : memref<1x8x512xi32, #tpu.memory_space<hbm>> -> memref<8x512xi32, #tpu.memory_space<hbm>>
        %dma_wait3A_619 = arith.constant 0 : i32
        %dma_wait3A_620 = arith.constant 0 : i32
        %dma_wait3A_621 = tpu.memref_slice %arg6[%dma_wait3A_609, %dma_wait3A_619, %dma_wait3A_620] : memref<5x8x512xi32, #tpu.memory_space<vmem>> -> memref<1x8x512xi32, #tpu.memory_space<vmem>>
        %dma_wait3A_622 = tpu.memref_squeeze %dma_wait3A_621 : memref<1x8x512xi32, #tpu.memory_space<vmem>> -> memref<8x512xi32, #tpu.memory_space<vmem>>
        tpu.wait_dma2 semaphore(%arg10 : memref<!tpu.dma_semaphore, #tpu.memory_space<semaphore_mem>>) src(%dma_wait3A_622 : memref<8x512xi32, #tpu.memory_space<vmem>>) dst(%dma_wait3A_618 : memref<8x512xi32, #tpu.memory_space<hbm>>)
        %sub3A_623 = arith.constant 2 : i32
        %sub3A_624 = arith.subi %add3A_365, %sub3A_623 : i32
        %mul3A_625 = arith.constant 8 : i32
        %mul3A_626 = arith.muli %mul3A_625, %sub3A_624 : i32
        %dma_wait3A_627 = arith.constant 3 : i32
        %dma_wait3A_628 = arith.constant 3 : i32
        %dma_wait3A_629 = arith.constant 0 : i32
        %dma_wait3A_630 = arith.constant 0 : i32
        %dma_wait3A_631 = tpu.memref_slice %arg6[%dma_wait3A_627, %dma_wait3A_629, %dma_wait3A_630] : memref<5x8x512xi32, #tpu.memory_space<vmem>> -> memref<1x8x512xi32, #tpu.memory_space<vmem>>
        %dma_wait3A_632 = tpu.memref_squeeze %dma_wait3A_631 : memref<1x8x512xi32, #tpu.memory_space<vmem>> -> memref<8x512xi32, #tpu.memory_space<vmem>>
        %dma_wait3A_633 = tpu.memref_slice %arg3[%dma_wait3A_628, %mul3A_626, %multiple_of3A] : memref<5x200x16384xi32, #tpu.memory_space<hbm>> -> memref<1x8x512xi32, #tpu.memory_space<hbm>>
        %dma_wait3A_634 = tpu.memref_squeeze %dma_wait3A_633 : memref<1x8x512xi32, #tpu.memory_space<hbm>> -> memref<8x512xi32, #tpu.memory_space<hbm>>
        %dma_wait3A_635 = tpu.memref_slice %arg3[%dma_wait3A_628, %mul3A_626, %multiple_of3A] : memref<5x200x16384xi32, #tpu.memory_space<hbm>> -> memref<1x8x512xi32, #tpu.memory_space<hbm>>
        %dma_wait3A_636 = tpu.memref_squeeze %dma_wait3A_635 : memref<1x8x512xi32, #tpu.memory_space<hbm>> -> memref<8x512xi32, #tpu.memory_space<hbm>>
        %dma_wait3A_637 = arith.constant 0 : i32
        %dma_wait3A_638 = arith.constant 0 : i32
        %dma_wait3A_639 = tpu.memref_slice %arg6[%dma_wait3A_627, %dma_wait3A_637, %dma_wait3A_638] : memref<5x8x512xi32, #tpu.memory_space<vmem>> -> memref<1x8x512xi32, #tpu.memory_space<vmem>>
        %dma_wait3A_640 = tpu.memref_squeeze %dma_wait3A_639 : memref<1x8x512xi32, #tpu.memory_space<vmem>> -> memref<8x512xi32, #tpu.memory_space<vmem>>
        tpu.wait_dma2 semaphore(%arg10 : memref<!tpu.dma_semaphore, #tpu.memory_space<semaphore_mem>>) src(%dma_wait3A_640 : memref<8x512xi32, #tpu.memory_space<vmem>>) dst(%dma_wait3A_636 : memref<8x512xi32, #tpu.memory_space<hbm>>)
        %sub3A_641 = arith.constant 2 : i32
        %sub3A_642 = arith.subi %add3A_365, %sub3A_641 : i32
        %mul3A_643 = arith.constant 8 : i32
        %mul3A_644 = arith.muli %mul3A_643, %sub3A_642 : i32
        %dma_wait3A_645 = arith.constant 4 : i32
        %dma_wait3A_646 = arith.constant 4 : i32
        %dma_wait3A_647 = arith.constant 0 : i32
        %dma_wait3A_648 = arith.constant 0 : i32
        %dma_wait3A_649 = tpu.memref_slice %arg6[%dma_wait3A_645, %dma_wait3A_647, %dma_wait3A_648] : memref<5x8x512xi32, #tpu.memory_space<vmem>> -> memref<1x8x512xi32, #tpu.memory_space<vmem>>
        %dma_wait3A_650 = tpu.memref_squeeze %dma_wait3A_649 : memref<1x8x512xi32, #tpu.memory_space<vmem>> -> memref<8x512xi32, #tpu.memory_space<vmem>>
        %dma_wait3A_651 = tpu.memref_slice %arg3[%dma_wait3A_646, %mul3A_644, %multiple_of3A] : memref<5x200x16384xi32, #tpu.memory_space<hbm>> -> memref<1x8x512xi32, #tpu.memory_space<hbm>>
        %dma_wait3A_652 = tpu.memref_squeeze %dma_wait3A_651 : memref<1x8x512xi32, #tpu.memory_space<hbm>> -> memref<8x512xi32, #tpu.memory_space<hbm>>
        %dma_wait3A_653 = tpu.memref_slice %arg3[%dma_wait3A_646, %mul3A_644, %multiple_of3A] : memref<5x200x16384xi32, #tpu.memory_space<hbm>> -> memref<1x8x512xi32, #tpu.memory_space<hbm>>
        %dma_wait3A_654 = tpu.memref_squeeze %dma_wait3A_653 : memref<1x8x512xi32, #tpu.memory_space<hbm>> -> memref<8x512xi32, #tpu.memory_space<hbm>>
        %dma_wait3A_655 = arith.constant 0 : i32
        %dma_wait3A_656 = arith.constant 0 : i32
        %dma_wait3A_657 = tpu.memref_slice %arg6[%dma_wait3A_645, %dma_wait3A_655, %dma_wait3A_656] : memref<5x8x512xi32, #tpu.memory_space<vmem>> -> memref<1x8x512xi32, #tpu.memory_space<vmem>>
        %dma_wait3A_658 = tpu.memref_squeeze %dma_wait3A_657 : memref<1x8x512xi32, #tpu.memory_space<vmem>> -> memref<8x512xi32, #tpu.memory_space<vmem>>
        tpu.wait_dma2 semaphore(%arg10 : memref<!tpu.dma_semaphore, #tpu.memory_space<semaphore_mem>>) src(%dma_wait3A_658 : memref<8x512xi32, #tpu.memory_space<vmem>>) dst(%dma_wait3A_654 : memref<8x512xi32, #tpu.memory_space<hbm>>)
      } else {
      }
      %scan3A_372 = arith.constant 0 : i32
      %scan3A_373 = arith.constant 0 : i32
      %scan3A_374 = arith.constant 8 : i32
      %scan3A_375 = arith.addi %scan3A_373, %scan3A_374 : i32
      %scan3A_376 = arith.constant 1 : i32
      scf.for %scan3A_570 = %scan3A_373 to %scan3A_375 step %scan3A_376  : i32 {
        %scan3A_571 = arith.constant 0 : i32
        %scan3A_572 = arith.constant 0 : i32
        %scan3A_573 = arith.constant 32 : i32
        %scan3A_574 = arith.addi %scan3A_572, %scan3A_573 : i32
        %scan3A_575 = arith.constant 2 : i32
        scf.for %scan3A_577 = %scan3A_572 to %scan3A_574 step %scan3A_575  : i32 {
          %mul3A_578 = arith.constant 16 : i32
          %mul3A_579 = arith.muli %scan3A_577, %mul3A_578 : i32
          %get3A = arith.index_cast %scan3A_570 : i32 to index
          %get3A_580 = arith.index_cast %mul3A_579 : i32 to index
          %get3A_581 = tpu.vector_load %arg4[%get3A, %get3A_580] {strides = array<i32>} : memref<8x512xi32, #tpu.memory_space<vmem>>, vector<16xi32>,
          %eq3A = arith.cmpi eq, %get3A_581, %broadcast_in_dim3A_3 : vector<16xi32>
          %select_n3A = arith.select %eq3A, %broadcast_in_dim3A_13, %broadcast_in_dim3A_15 : vector<16xi1>, vector<16xi32>
          %mul3A_582 = arith.constant 16 : i32
          %mul3A_583 = arith.muli %scan3A_577, %mul3A_582 : i32
          %swap3A = arith.constant 0 : i32
          %swap3A_584 = arith.index_cast %swap3A : i32 to index
          %swap3A_585 = arith.index_cast %scan3A_570 : i32 to index
          %swap3A_586 = arith.index_cast %mul3A_583 : i32 to index
          %swap3A_587 = tpu.vector_load %arg6[%swap3A_584, %swap3A_585, %swap3A_586] {strides = array<i32>} : memref<5x8x512xi32, #tpu.memory_space<vmem>>, vector<16xi32>,
          tpu.vector_store %arg6[%swap3A_584, %swap3A_585, %swap3A_586], %select_n3A {strides = array<i32>} : memref<5x8x512xi32, #tpu.memory_space<vmem>>, vector<16xi32>,
          %eq3A_588 = arith.cmpi eq, %get3A_581, %broadcast_in_dim3A_5 : vector<16xi32>
          %select_n3A_589 = arith.select %eq3A_588, %broadcast_in_dim3A_13, %broadcast_in_dim3A_15 : vector<16xi1>, vector<16xi32>
          %mul3A_590 = arith.constant 16 : i32
          %mul3A_591 = arith.muli %scan3A_577, %mul3A_590 : i32
          %swap3A_592 = arith.constant 1 : i32
          %swap3A_593 = arith.index_cast %swap3A_592 : i32 to index
          %swap3A_594 = arith.index_cast %scan3A_570 : i32 to index
          %swap3A_595 = arith.index_cast %mul3A_591 : i32 to index
          %swap3A_596 = tpu.vector_load %arg6[%swap3A_593, %swap3A_594, %swap3A_595] {strides = array<i32>} : memref<5x8x512xi32, #tpu.memory_space<vmem>>, vector<16xi32>,
          tpu.vector_store %arg6[%swap3A_593, %swap3A_594, %swap3A_595], %select_n3A_589 {strides = array<i32>} : memref<5x8x512xi32, #tpu.memory_space<vmem>>, vector<16xi32>,
          %eq3A_597 = arith.cmpi eq, %get3A_581, %broadcast_in_dim3A_7 : vector<16xi32>
          %select_n3A_598 = arith.select %eq3A_597, %broadcast_in_dim3A_13, %broadcast_in_dim3A_15 : vector<16xi1>, vector<16xi32>
          %mul3A_599 = arith.constant 16 : i32
          %mul3A_600 = arith.muli %scan3A_577, %mul3A_599 : i32
          %swap3A_601 = arith.constant 2 : i32
          %swap3A_602 = arith.index_cast %swap3A_601 : i32 to index
          %swap3A_603 = arith.index_cast %scan3A_570 : i32 to index
          %swap3A_604 = arith.index_cast %mul3A_600 : i32 to index
          %swap3A_605 = tpu.vector_load %arg6[%swap3A_602, %swap3A_603, %swap3A_604] {strides = array<i32>} : memref<5x8x512xi32, #tpu.memory_space<vmem>>, vector<16xi32>,
          tpu.vector_store %arg6[%swap3A_602, %swap3A_603, %swap3A_604], %select_n3A_598 {strides = array<i32>} : memref<5x8x512xi32, #tpu.memory_space<vmem>>, vector<16xi32>,
          %eq3A_606 = arith.cmpi eq, %get3A_581, %broadcast_in_dim3A_9 : vector<16xi32>
          %select_n3A_607 = arith.select %eq3A_606, %broadcast_in_dim3A_13, %broadcast_in_dim3A_15 : vector<16xi1>, vector<16xi32>
          %mul3A_608 = arith.constant 16 : i32
          %mul3A_609 = arith.muli %scan3A_577, %mul3A_608 : i32
          %swap3A_610 = arith.constant 3 : i32
          %swap3A_611 = arith.index_cast %swap3A_610 : i32 to index
          %swap3A_612 = arith.index_cast %scan3A_570 : i32 to index
          %swap3A_613 = arith.index_cast %mul3A_609 : i32 to index
          %swap3A_614 = tpu.vector_load %arg6[%swap3A_611, %swap3A_612, %swap3A_613] {strides = array<i32>} : memref<5x8x512xi32, #tpu.memory_space<vmem>>, vector<16xi32>,
          tpu.vector_store %arg6[%swap3A_611, %swap3A_612, %swap3A_613], %select_n3A_607 {strides = array<i32>} : memref<5x8x512xi32, #tpu.memory_space<vmem>>, vector<16xi32>,
          %eq3A_615 = arith.cmpi eq, %get3A_581, %broadcast_in_dim3A_11 : vector<16xi32>
          %select_n3A_616 = arith.select %eq3A_615, %broadcast_in_dim3A_13, %broadcast_in_dim3A_15 : vector<16xi1>, vector<16xi32>
          %mul3A_617 = arith.constant 16 : i32
          %mul3A_618 = arith.muli %scan3A_577, %mul3A_617 : i32
          %swap3A_619 = arith.constant 4 : i32
          %swap3A_620 = arith.index_cast %swap3A_619 : i32 to index
          %swap3A_621 = arith.index_cast %scan3A_570 : i32 to index
          %swap3A_622 = arith.index_cast %mul3A_618 : i32 to index
          %swap3A_623 = tpu.vector_load %arg6[%swap3A_620, %swap3A_621, %swap3A_622] {strides = array<i32>} : memref<5x8x512xi32, #tpu.memory_space<vmem>>, vector<16xi32>,
          tpu.vector_store %arg6[%swap3A_620, %swap3A_621, %swap3A_622], %select_n3A_616 {strides = array<i32>} : memref<5x8x512xi32, #tpu.memory_space<vmem>>, vector<16xi32>,
          %scan3A_624 = arith.constant 1 : i32
          %scan3A_625 = arith.addi %scan3A_577, %scan3A_624 : i32
          %mul3A_626 = arith.constant 16 : i32
          %mul3A_627 = arith.muli %scan3A_625, %mul3A_626 : i32
          %get3A_628 = arith.index_cast %scan3A_570 : i32 to index
          %get3A_629 = arith.index_cast %mul3A_627 : i32 to index
          %get3A_630 = tpu.vector_load %arg4[%get3A_628, %get3A_629] {strides = array<i32>} : memref<8x512xi32, #tpu.memory_space<vmem>>, vector<16xi32>,
          %eq3A_631 = arith.cmpi eq, %get3A_630, %broadcast_in_dim3A_3 : vector<16xi32>
          %select_n3A_632 = arith.select %eq3A_631, %broadcast_in_dim3A_13, %broadcast_in_dim3A_15 : vector<16xi1>, vector<16xi32>
          %mul3A_633 = arith.constant 16 : i32
          %mul3A_634 = arith.muli %scan3A_625, %mul3A_633 : i32
          %swap3A_635 = arith.constant 0 : i32
          %swap3A_636 = arith.index_cast %swap3A_635 : i32 to index
          %swap3A_637 = arith.index_cast %scan3A_570 : i32 to index
          %swap3A_638 = arith.index_cast %mul3A_634 : i32 to index
          %swap3A_639 = tpu.vector_load %arg6[%swap3A_636, %swap3A_637, %swap3A_638] {strides = array<i32>} : memref<5x8x512xi32, #tpu.memory_space<vmem>>, vector<16xi32>,
          tpu.vector_store %arg6[%swap3A_636, %swap3A_637, %swap3A_638], %select_n3A_632 {strides = array<i32>} : memref<5x8x512xi32, #tpu.memory_space<vmem>>, vector<16xi32>,
          %eq3A_640 = arith.cmpi eq, %get3A_630, %broadcast_in_dim3A_5 : vector<16xi32>
          %select_n3A_641 = arith.select %eq3A_640, %broadcast_in_dim3A_13, %broadcast_in_dim3A_15 : vector<16xi1>, vector<16xi32>
          %mul3A_642 = arith.constant 16 : i32
          %mul3A_643 = arith.muli %scan3A_625, %mul3A_642 : i32
          %swap3A_644 = arith.constant 1 : i32
          %swap3A_645 = arith.index_cast %swap3A_644 : i32 to index
          %swap3A_646 = arith.index_cast %scan3A_570 : i32 to index
          %swap3A_647 = arith.index_cast %mul3A_643 : i32 to index
          %swap3A_648 = tpu.vector_load %arg6[%swap3A_645, %swap3A_646, %swap3A_647] {strides = array<i32>} : memref<5x8x512xi32, #tpu.memory_space<vmem>>, vector<16xi32>,
          tpu.vector_store %arg6[%swap3A_645, %swap3A_646, %swap3A_647], %select_n3A_641 {strides = array<i32>} : memref<5x8x512xi32, #tpu.memory_space<vmem>>, vector<16xi32>,
          %eq3A_649 = arith.cmpi eq, %get3A_630, %broadcast_in_dim3A_7 : vector<16xi32>
          %select_n3A_650 = arith.select %eq3A_649, %broadcast_in_dim3A_13, %broadcast_in_dim3A_15 : vector<16xi1>, vector<16xi32>
          %mul3A_651 = arith.constant 16 : i32
          %mul3A_652 = arith.muli %scan3A_625, %mul3A_651 : i32
          %swap3A_653 = arith.constant 2 : i32
          %swap3A_654 = arith.index_cast %swap3A_653 : i32 to index
          %swap3A_655 = arith.index_cast %scan3A_570 : i32 to index
          %swap3A_656 = arith.index_cast %mul3A_652 : i32 to index
          %swap3A_657 = tpu.vector_load %arg6[%swap3A_654, %swap3A_655, %swap3A_656] {strides = array<i32>} : memref<5x8x512xi32, #tpu.memory_space<vmem>>, vector<16xi32>,
          tpu.vector_store %arg6[%swap3A_654, %swap3A_655, %swap3A_656], %select_n3A_650 {strides = array<i32>} : memref<5x8x512xi32, #tpu.memory_space<vmem>>, vector<16xi32>,
          %eq3A_658 = arith.cmpi eq, %get3A_630, %broadcast_in_dim3A_9 : vector<16xi32>
          %select_n3A_659 = arith.select %eq3A_658, %broadcast_in_dim3A_13, %broadcast_in_dim3A_15 : vector<16xi1>, vector<16xi32>
          %mul3A_660 = arith.constant 16 : i32
          %mul3A_661 = arith.muli %scan3A_625, %mul3A_660 : i32
          %swap3A_662 = arith.constant 3 : i32
          %swap3A_663 = arith.index_cast %swap3A_662 : i32 to index
          %swap3A_664 = arith.index_cast %scan3A_570 : i32 to index
          %swap3A_665 = arith.index_cast %mul3A_661 : i32 to index
          %swap3A_666 = tpu.vector_load %arg6[%swap3A_663, %swap3A_664, %swap3A_665] {strides = array<i32>} : memref<5x8x512xi32, #tpu.memory_space<vmem>>, vector<16xi32>,
          tpu.vector_store %arg6[%swap3A_663, %swap3A_664, %swap3A_665], %select_n3A_659 {strides = array<i32>} : memref<5x8x512xi32, #tpu.memory_space<vmem>>, vector<16xi32>,
          %eq3A_667 = arith.cmpi eq, %get3A_630, %broadcast_in_dim3A_11 : vector<16xi32>
          %select_n3A_668 = arith.select %eq3A_667, %broadcast_in_dim3A_13, %broadcast_in_dim3A_15 : vector<16xi1>, vector<16xi32>
          %mul3A_669 = arith.constant 16 : i32
          %mul3A_670 = arith.muli %scan3A_625, %mul3A_669 : i32
          %swap3A_671 = arith.constant 4 : i32
          %swap3A_672 = arith.index_cast %swap3A_671 : i32 to index
          %swap3A_673 = arith.index_cast %scan3A_570 : i32 to index
          %swap3A_674 = arith.index_cast %mul3A_670 : i32 to index
          %swap3A_675 = tpu.vector_load %arg6[%swap3A_672, %swap3A_673, %swap3A_674] {strides = array<i32>} : memref<5x8x512xi32, #tpu.memory_space<vmem>>, vector<16xi32>,
          tpu.vector_store %arg6[%swap3A_672, %swap3A_673, %swap3A_674], %select_n3A_668 {strides = array<i32>} : memref<5x8x512xi32, #tpu.memory_space<vmem>>, vector<16xi32>,
        }
        %scan3A_576 = arith.constant 32 : i32
      }
      %scan3A_377 = arith.constant 8 : i32
      %mul3A_378 = arith.constant 8 : i32
      %mul3A_379 = arith.muli %mul3A_378, %add3A_365 : i32
      %dma_start3A_380 = arith.constant 0 : i32
      %dma_start3A_381 = arith.constant 0 : i32
      %dma_start3A_382 = arith.constant 0 : i32
      %dma_start3A_383 = arith.constant 0 : i32
      %dma_start3A_384 = tpu.memref_slice %arg6[%dma_start3A_380, %dma_start3A_382, %dma_start3A_383] : memref<5x8x512xi32, #tpu.memory_space<vmem>> -> memref<1x8x512xi32, #tpu.memory_space<vmem>>
      %dma_start3A_385 = tpu.memref_squeeze %dma_start3A_384 : memref<1x8x512xi32, #tpu.memory_space<vmem>> -> memref<8x512xi32, #tpu.memory_space<vmem>>
      %dma_start3A_386 = tpu.memref_slice %arg3[%dma_start3A_381, %mul3A_379, %multiple_of3A] : memref<5x200x16384xi32, #tpu.memory_space<hbm>> -> memref<1x8x512xi32, #tpu.memory_space<hbm>>
      %dma_start3A_387 = tpu.memref_squeeze %dma_start3A_386 : memref<1x8x512xi32, #tpu.memory_space<hbm>> -> memref<8x512xi32, #tpu.memory_space<hbm>>
      %dma_start3A_388 = tpu.memref_slice %arg3[%dma_start3A_381, %mul3A_379, %multiple_of3A] : memref<5x200x16384xi32, #tpu.memory_space<hbm>> -> memref<1x8x512xi32, #tpu.memory_space<hbm>>
      %dma_start3A_389 = tpu.memref_squeeze %dma_start3A_388 : memref<1x8x512xi32, #tpu.memory_space<hbm>> -> memref<8x512xi32, #tpu.memory_space<hbm>>
      %dma_start3A_390 = arith.constant 0 : i32
      %dma_start3A_391 = arith.constant 0 : i32
      %dma_start3A_392 = tpu.memref_slice %arg6[%dma_start3A_380, %dma_start3A_390, %dma_start3A_391] : memref<5x8x512xi32, #tpu.memory_space<vmem>> -> memref<1x8x512xi32, #tpu.memory_space<vmem>>
      %dma_start3A_393 = tpu.memref_squeeze %dma_start3A_392 : memref<1x8x512xi32, #tpu.memory_space<vmem>> -> memref<8x512xi32, #tpu.memory_space<vmem>>
      tpu.enqueue_dma source(%dma_start3A_393 : memref<8x512xi32, #tpu.memory_space<vmem>>) target(%dma_start3A_389 : memref<8x512xi32, #tpu.memory_space<hbm>>) target_semaphore(%arg10 : memref<!tpu.dma_semaphore, #tpu.memory_space<semaphore_mem>>)
      %mul3A_394 = arith.constant 8 : i32
      %mul3A_395 = arith.muli %mul3A_394, %add3A_365 : i32
      %dma_start3A_396 = arith.constant 1 : i32
      %dma_start3A_397 = arith.constant 1 : i32
      %dma_start3A_398 = arith.constant 0 : i32
      %dma_start3A_399 = arith.constant 0 : i32
      %dma_start3A_400 = tpu.memref_slice %arg6[%dma_start3A_396, %dma_start3A_398, %dma_start3A_399] : memref<5x8x512xi32, #tpu.memory_space<vmem>> -> memref<1x8x512xi32, #tpu.memory_space<vmem>>
      %dma_start3A_401 = tpu.memref_squeeze %dma_start3A_400 : memref<1x8x512xi32, #tpu.memory_space<vmem>> -> memref<8x512xi32, #tpu.memory_space<vmem>>
      %dma_start3A_402 = tpu.memref_slice %arg3[%dma_start3A_397, %mul3A_395, %multiple_of3A] : memref<5x200x16384xi32, #tpu.memory_space<hbm>> -> memref<1x8x512xi32, #tpu.memory_space<hbm>>
      %dma_start3A_403 = tpu.memref_squeeze %dma_start3A_402 : memref<1x8x512xi32, #tpu.memory_space<hbm>> -> memref<8x512xi32, #tpu.memory_space<hbm>>
      %dma_start3A_404 = tpu.memref_slice %arg3[%dma_start3A_397, %mul3A_395, %multiple_of3A] : memref<5x200x16384xi32, #tpu.memory_space<hbm>> -> memref<1x8x512xi32, #tpu.memory_space<hbm>>
      %dma_start3A_405 = tpu.memref_squeeze %dma_start3A_404 : memref<1x8x512xi32, #tpu.memory_space<hbm>> -> memref<8x512xi32, #tpu.memory_space<hbm>>
      %dma_start3A_406 = arith.constant 0 : i32
      %dma_start3A_407 = arith.constant 0 : i32
      %dma_start3A_408 = tpu.memref_slice %arg6[%dma_start3A_396, %dma_start3A_406, %dma_start3A_407] : memref<5x8x512xi32, #tpu.memory_space<vmem>> -> memref<1x8x512xi32, #tpu.memory_space<vmem>>
      %dma_start3A_409 = tpu.memref_squeeze %dma_start3A_408 : memref<1x8x512xi32, #tpu.memory_space<vmem>> -> memref<8x512xi32, #tpu.memory_space<vmem>>
      tpu.enqueue_dma source(%dma_start3A_409 : memref<8x512xi32, #tpu.memory_space<vmem>>) target(%dma_start3A_405 : memref<8x512xi32, #tpu.memory_space<hbm>>) target_semaphore(%arg10 : memref<!tpu.dma_semaphore, #tpu.memory_space<semaphore_mem>>)
      %mul3A_410 = arith.constant 8 : i32
      %mul3A_411 = arith.muli %mul3A_410, %add3A_365 : i32
      %dma_start3A_412 = arith.constant 2 : i32
      %dma_start3A_413 = arith.constant 2 : i32
      %dma_start3A_414 = arith.constant 0 : i32
      %dma_start3A_415 = arith.constant 0 : i32
      %dma_start3A_416 = tpu.memref_slice %arg6[%dma_start3A_412, %dma_start3A_414, %dma_start3A_415] : memref<5x8x512xi32, #tpu.memory_space<vmem>> -> memref<1x8x512xi32, #tpu.memory_space<vmem>>
      %dma_start3A_417 = tpu.memref_squeeze %dma_start3A_416 : memref<1x8x512xi32, #tpu.memory_space<vmem>> -> memref<8x512xi32, #tpu.memory_space<vmem>>
      %dma_start3A_418 = tpu.memref_slice %arg3[%dma_start3A_413, %mul3A_411, %multiple_of3A] : memref<5x200x16384xi32, #tpu.memory_space<hbm>> -> memref<1x8x512xi32, #tpu.memory_space<hbm>>
      %dma_start3A_419 = tpu.memref_squeeze %dma_start3A_418 : memref<1x8x512xi32, #tpu.memory_space<hbm>> -> memref<8x512xi32, #tpu.memory_space<hbm>>
      %dma_start3A_420 = tpu.memref_slice %arg3[%dma_start3A_413, %mul3A_411, %multiple_of3A] : memref<5x200x16384xi32, #tpu.memory_space<hbm>> -> memref<1x8x512xi32, #tpu.memory_space<hbm>>
      %dma_start3A_421 = tpu.memref_squeeze %dma_start3A_420 : memref<1x8x512xi32, #tpu.memory_space<hbm>> -> memref<8x512xi32, #tpu.memory_space<hbm>>
      %dma_start3A_422 = arith.constant 0 : i32
      %dma_start3A_423 = arith.constant 0 : i32
      %dma_start3A_424 = tpu.memref_slice %arg6[%dma_start3A_412, %dma_start3A_422, %dma_start3A_423] : memref<5x8x512xi32, #tpu.memory_space<vmem>> -> memref<1x8x512xi32, #tpu.memory_space<vmem>>
      %dma_start3A_425 = tpu.memref_squeeze %dma_start3A_424 : memref<1x8x512xi32, #tpu.memory_space<vmem>> -> memref<8x512xi32, #tpu.memory_space<vmem>>
      tpu.enqueue_dma source(%dma_start3A_425 : memref<8x512xi32, #tpu.memory_space<vmem>>) target(%dma_start3A_421 : memref<8x512xi32, #tpu.memory_space<hbm>>) target_semaphore(%arg10 : memref<!tpu.dma_semaphore, #tpu.memory_space<semaphore_mem>>)
      %mul3A_426 = arith.constant 8 : i32
      %mul3A_427 = arith.muli %mul3A_426, %add3A_365 : i32
      %dma_start3A_428 = arith.constant 3 : i32
      %dma_start3A_429 = arith.constant 3 : i32
      %dma_start3A_430 = arith.constant 0 : i32
      %dma_start3A_431 = arith.constant 0 : i32
      %dma_start3A_432 = tpu.memref_slice %arg6[%dma_start3A_428, %dma_start3A_430, %dma_start3A_431] : memref<5x8x512xi32, #tpu.memory_space<vmem>> -> memref<1x8x512xi32, #tpu.memory_space<vmem>>
      %dma_start3A_433 = tpu.memref_squeeze %dma_start3A_432 : memref<1x8x512xi32, #tpu.memory_space<vmem>> -> memref<8x512xi32, #tpu.memory_space<vmem>>
      %dma_start3A_434 = tpu.memref_slice %arg3[%dma_start3A_429, %mul3A_427, %multiple_of3A] : memref<5x200x16384xi32, #tpu.memory_space<hbm>> -> memref<1x8x512xi32, #tpu.memory_space<hbm>>
      %dma_start3A_435 = tpu.memref_squeeze %dma_start3A_434 : memref<1x8x512xi32, #tpu.memory_space<hbm>> -> memref<8x512xi32, #tpu.memory_space<hbm>>
      %dma_start3A_436 = tpu.memref_slice %arg3[%dma_start3A_429, %mul3A_427, %multiple_of3A] : memref<5x200x16384xi32, #tpu.memory_space<hbm>> -> memref<1x8x512xi32, #tpu.memory_space<hbm>>
      %dma_start3A_437 = tpu.memref_squeeze %dma_start3A_436 : memref<1x8x512xi32, #tpu.memory_space<hbm>> -> memref<8x512xi32, #tpu.memory_space<hbm>>
      %dma_start3A_438 = arith.constant 0 : i32
      %dma_start3A_439 = arith.constant 0 : i32
      %dma_start3A_440 = tpu.memref_slice %arg6[%dma_start3A_428, %dma_start3A_438, %dma_start3A_439] : memref<5x8x512xi32, #tpu.memory_space<vmem>> -> memref<1x8x512xi32, #tpu.memory_space<vmem>>
      %dma_start3A_441 = tpu.memref_squeeze %dma_start3A_440 : memref<1x8x512xi32, #tpu.memory_space<vmem>> -> memref<8x512xi32, #tpu.memory_space<vmem>>
      tpu.enqueue_dma source(%dma_start3A_441 : memref<8x512xi32, #tpu.memory_space<vmem>>) target(%dma_start3A_437 : memref<8x512xi32, #tpu.memory_space<hbm>>) target_semaphore(%arg10 : memref<!tpu.dma_semaphore, #tpu.memory_space<semaphore_mem>>)
      %mul3A_442 = arith.constant 8 : i32
      %mul3A_443 = arith.muli %mul3A_442, %add3A_365 : i32
      %dma_start3A_444 = arith.constant 4 : i32
      %dma_start3A_445 = arith.constant 4 : i32
      %dma_start3A_446 = arith.constant 0 : i32
      %dma_start3A_447 = arith.constant 0 : i32
      %dma_start3A_448 = tpu.memref_slice %arg6[%dma_start3A_444, %dma_start3A_446, %dma_start3A_447] : memref<5x8x512xi32, #tpu.memory_space<vmem>> -> memref<1x8x512xi32, #tpu.memory_space<vmem>>
      %dma_start3A_449 = tpu.memref_squeeze %dma_start3A_448 : memref<1x8x512xi32, #tpu.memory_space<vmem>> -> memref<8x512xi32, #tpu.memory_space<vmem>>
      %dma_start3A_450 = tpu.memref_slice %arg3[%dma_start3A_445, %mul3A_443, %multiple_of3A] : memref<5x200x16384xi32, #tpu.memory_space<hbm>> -> memref<1x8x512xi32, #tpu.memory_space<hbm>>
      %dma_start3A_451 = tpu.memref_squeeze %dma_start3A_450 : memref<1x8x512xi32, #tpu.memory_space<hbm>> -> memref<8x512xi32, #tpu.memory_space<hbm>>
      %dma_start3A_452 = tpu.memref_slice %arg3[%dma_start3A_445, %mul3A_443, %multiple_of3A] : memref<5x200x16384xi32, #tpu.memory_space<hbm>> -> memref<1x8x512xi32, #tpu.memory_space<hbm>>
      %dma_start3A_453 = tpu.memref_squeeze %dma_start3A_452 : memref<1x8x512xi32, #tpu.memory_space<hbm>> -> memref<8x512xi32, #tpu.memory_space<hbm>>
      %dma_start3A_454 = arith.constant 0 : i32
      %dma_start3A_455 = arith.constant 0 : i32
      %dma_start3A_456 = tpu.memref_slice %arg6[%dma_start3A_444, %dma_start3A_454, %dma_start3A_455] : memref<5x8x512xi32, #tpu.memory_space<vmem>> -> memref<1x8x512xi32, #tpu.memory_space<vmem>>
      %dma_start3A_457 = tpu.memref_squeeze %dma_start3A_456 : memref<1x8x512xi32, #tpu.memory_space<vmem>> -> memref<8x512xi32, #tpu.memory_space<vmem>>
      tpu.enqueue_dma source(%dma_start3A_457 : memref<8x512xi32, #tpu.memory_space<vmem>>) target(%dma_start3A_453 : memref<8x512xi32, #tpu.memory_space<hbm>>) target_semaphore(%arg10 : memref<!tpu.dma_semaphore, #tpu.memory_space<semaphore_mem>>)
      %add3A_458 = arith.constant 2 : i32
      %add3A_459 = arith.addi %add3A_365, %add3A_458 : i32
      %rem3A = arith.constant 25 : i32
      %rem3A_460 = arith.remsi %add3A_459, %rem3A : i32
      %mul3A_461 = arith.constant 8 : i32
      %mul3A_462 = arith.muli %mul3A_461, %rem3A_460 : i32
      %dma_start3A_463 = tpu.memref_slice %arg2[%mul3A_462, %multiple_of3A] : memref<200x16384xi32, #tpu.memory_space<hbm>> -> memref<8x512xi32, #tpu.memory_space<hbm>>
      %dma_start3A_464 = tpu.memref_slice %arg2[%mul3A_462, %multiple_of3A] : memref<200x16384xi32, #tpu.memory_space<hbm>> -> memref<8x512xi32, #tpu.memory_space<hbm>>
      tpu.enqueue_dma source(%dma_start3A_464 : memref<8x512xi32, #tpu.memory_space<hbm>>) target(%arg4 : memref<8x512xi32, #tpu.memory_space<vmem>>) target_semaphore(%arg8 : memref<!tpu.dma_semaphore, #tpu.memory_space<semaphore_mem>>)
      %add3A_465 = arith.constant 1 : i32
      %add3A_466 = arith.addi %mul3A_363, %add3A_465 : i32
      %mul3A_467 = arith.constant 8 : i32
      %mul3A_468 = arith.muli %mul3A_467, %add3A_466 : i32
      %dma_wait3A_469 = tpu.memref_slice %arg2[%mul3A_468, %multiple_of3A] : memref<200x16384xi32, #tpu.memory_space<hbm>> -> memref<8x512xi32, #tpu.memory_space<hbm>>
      %dma_wait3A_470 = tpu.memref_slice %arg2[%mul3A_468, %multiple_of3A] : memref<200x16384xi32, #tpu.memory_space<hbm>> -> memref<8x512xi32, #tpu.memory_space<hbm>>
      tpu.wait_dma2 semaphore(%arg9 : memref<!tpu.dma_semaphore, #tpu.memory_space<semaphore_mem>>) src(%dma_wait3A_470 : memref<8x512xi32, #tpu.memory_space<hbm>>) dst(%arg5 : memref<8x512xi32, #tpu.memory_space<vmem>>)
      %ge3A_471 = arith.constant 2 : i32
      %ge3A_472 = arith.cmpi sge, %add3A_466, %ge3A_471 : i32
      %convert_element_type3A_473 = arith.extui %ge3A_472 : i1 to i32
      %cond3A_474 = arith.constant 0 : i32
      %cond3A_475 = arith.cmpi ne, %convert_element_type3A_473, %cond3A_474 : i32
      scf.if %cond3A_475 {
        %sub3A = arith.constant 2 : i32
        %sub3A_570 = arith.subi %add3A_466, %sub3A : i32
        %mul3A_571 = arith.constant 8 : i32
        %mul3A_572 = arith.muli %mul3A_571, %sub3A_570 : i32
        %dma_wait3A_573 = arith.constant 0 : i32
        %dma_wait3A_574 = arith.constant 0 : i32
        %dma_wait3A_575 = arith.constant 0 : i32
        %dma_wait3A_576 = arith.constant 0 : i32
        %dma_wait3A_577 = tpu.memref_slice %arg7[%dma_wait3A_573, %dma_wait3A_575, %dma_wait3A_576] : memref<5x8x512xi32, #tpu.memory_space<vmem>> -> memref<1x8x512xi32, #tpu.memory_space<vmem>>
        %dma_wait3A_578 = tpu.memref_squeeze %dma_wait3A_577 : memref<1x8x512xi32, #tpu.memory_space<vmem>> -> memref<8x512xi32, #tpu.memory_space<vmem>>
        %dma_wait3A_579 = tpu.memref_slice %arg3[%dma_wait3A_574, %mul3A_572, %multiple_of3A] : memref<5x200x16384xi32, #tpu.memory_space<hbm>> -> memref<1x8x512xi32, #tpu.memory_space<hbm>>
        %dma_wait3A_580 = tpu.memref_squeeze %dma_wait3A_579 : memref<1x8x512xi32, #tpu.memory_space<hbm>> -> memref<8x512xi32, #tpu.memory_space<hbm>>
        %dma_wait3A_581 = tpu.memref_slice %arg3[%dma_wait3A_574, %mul3A_572, %multiple_of3A] : memref<5x200x16384xi32, #tpu.memory_space<hbm>> -> memref<1x8x512xi32, #tpu.memory_space<hbm>>
        %dma_wait3A_582 = tpu.memref_squeeze %dma_wait3A_581 : memref<1x8x512xi32, #tpu.memory_space<hbm>> -> memref<8x512xi32, #tpu.memory_space<hbm>>
        %dma_wait3A_583 = arith.constant 0 : i32
        %dma_wait3A_584 = arith.constant 0 : i32
        %dma_wait3A_585 = tpu.memref_slice %arg7[%dma_wait3A_573, %dma_wait3A_583, %dma_wait3A_584] : memref<5x8x512xi32, #tpu.memory_space<vmem>> -> memref<1x8x512xi32, #tpu.memory_space<vmem>>
        %dma_wait3A_586 = tpu.memref_squeeze %dma_wait3A_585 : memref<1x8x512xi32, #tpu.memory_space<vmem>> -> memref<8x512xi32, #tpu.memory_space<vmem>>
        tpu.wait_dma2 semaphore(%arg11 : memref<!tpu.dma_semaphore, #tpu.memory_space<semaphore_mem>>) src(%dma_wait3A_586 : memref<8x512xi32, #tpu.memory_space<vmem>>) dst(%dma_wait3A_582 : memref<8x512xi32, #tpu.memory_space<hbm>>)
        %sub3A_587 = arith.constant 2 : i32
        %sub3A_588 = arith.subi %add3A_466, %sub3A_587 : i32
        %mul3A_589 = arith.constant 8 : i32
        %mul3A_590 = arith.muli %mul3A_589, %sub3A_588 : i32
        %dma_wait3A_591 = arith.constant 1 : i32
        %dma_wait3A_592 = arith.constant 1 : i32
        %dma_wait3A_593 = arith.constant 0 : i32
        %dma_wait3A_594 = arith.constant 0 : i32
        %dma_wait3A_595 = tpu.memref_slice %arg7[%dma_wait3A_591, %dma_wait3A_593, %dma_wait3A_594] : memref<5x8x512xi32, #tpu.memory_space<vmem>> -> memref<1x8x512xi32, #tpu.memory_space<vmem>>
        %dma_wait3A_596 = tpu.memref_squeeze %dma_wait3A_595 : memref<1x8x512xi32, #tpu.memory_space<vmem>> -> memref<8x512xi32, #tpu.memory_space<vmem>>
        %dma_wait3A_597 = tpu.memref_slice %arg3[%dma_wait3A_592, %mul3A_590, %multiple_of3A] : memref<5x200x16384xi32, #tpu.memory_space<hbm>> -> memref<1x8x512xi32, #tpu.memory_space<hbm>>
        %dma_wait3A_598 = tpu.memref_squeeze %dma_wait3A_597 : memref<1x8x512xi32, #tpu.memory_space<hbm>> -> memref<8x512xi32, #tpu.memory_space<hbm>>
        %dma_wait3A_599 = tpu.memref_slice %arg3[%dma_wait3A_592, %mul3A_590, %multiple_of3A] : memref<5x200x16384xi32, #tpu.memory_space<hbm>> -> memref<1x8x512xi32, #tpu.memory_space<hbm>>
        %dma_wait3A_600 = tpu.memref_squeeze %dma_wait3A_599 : memref<1x8x512xi32, #tpu.memory_space<hbm>> -> memref<8x512xi32, #tpu.memory_space<hbm>>
        %dma_wait3A_601 = arith.constant 0 : i32
        %dma_wait3A_602 = arith.constant 0 : i32
        %dma_wait3A_603 = tpu.memref_slice %arg7[%dma_wait3A_591, %dma_wait3A_601, %dma_wait3A_602] : memref<5x8x512xi32, #tpu.memory_space<vmem>> -> memref<1x8x512xi32, #tpu.memory_space<vmem>>
        %dma_wait3A_604 = tpu.memref_squeeze %dma_wait3A_603 : memref<1x8x512xi32, #tpu.memory_space<vmem>> -> memref<8x512xi32, #tpu.memory_space<vmem>>
        tpu.wait_dma2 semaphore(%arg11 : memref<!tpu.dma_semaphore, #tpu.memory_space<semaphore_mem>>) src(%dma_wait3A_604 : memref<8x512xi32, #tpu.memory_space<vmem>>) dst(%dma_wait3A_600 : memref<8x512xi32, #tpu.memory_space<hbm>>)
        %sub3A_605 = arith.constant 2 : i32
        %sub3A_606 = arith.subi %add3A_466, %sub3A_605 : i32
        %mul3A_607 = arith.constant 8 : i32
        %mul3A_608 = arith.muli %mul3A_607, %sub3A_606 : i32
        %dma_wait3A_609 = arith.constant 2 : i32
        %dma_wait3A_610 = arith.constant 2 : i32
        %dma_wait3A_611 = arith.constant 0 : i32
        %dma_wait3A_612 = arith.constant 0 : i32
        %dma_wait3A_613 = tpu.memref_slice %arg7[%dma_wait3A_609, %dma_wait3A_611, %dma_wait3A_612] : memref<5x8x512xi32, #tpu.memory_space<vmem>> -> memref<1x8x512xi32, #tpu.memory_space<vmem>>
        %dma_wait3A_614 = tpu.memref_squeeze %dma_wait3A_613 : memref<1x8x512xi32, #tpu.memory_space<vmem>> -> memref<8x512xi32, #tpu.memory_space<vmem>>
        %dma_wait3A_615 = tpu.memref_slice %arg3[%dma_wait3A_610, %mul3A_608, %multiple_of3A] : memref<5x200x16384xi32, #tpu.memory_space<hbm>> -> memref<1x8x512xi32, #tpu.memory_space<hbm>>
        %dma_wait3A_616 = tpu.memref_squeeze %dma_wait3A_615 : memref<1x8x512xi32, #tpu.memory_space<hbm>> -> memref<8x512xi32, #tpu.memory_space<hbm>>
        %dma_wait3A_617 = tpu.memref_slice %arg3[%dma_wait3A_610, %mul3A_608, %multiple_of3A] : memref<5x200x16384xi32, #tpu.memory_space<hbm>> -> memref<1x8x512xi32, #tpu.memory_space<hbm>>
        %dma_wait3A_618 = tpu.memref_squeeze %dma_wait3A_617 : memref<1x8x512xi32, #tpu.memory_space<hbm>> -> memref<8x512xi32, #tpu.memory_space<hbm>>
        %dma_wait3A_619 = arith.constant 0 : i32
        %dma_wait3A_620 = arith.constant 0 : i32
        %dma_wait3A_621 = tpu.memref_slice %arg7[%dma_wait3A_609, %dma_wait3A_619, %dma_wait3A_620] : memref<5x8x512xi32, #tpu.memory_space<vmem>> -> memref<1x8x512xi32, #tpu.memory_space<vmem>>
        %dma_wait3A_622 = tpu.memref_squeeze %dma_wait3A_621 : memref<1x8x512xi32, #tpu.memory_space<vmem>> -> memref<8x512xi32, #tpu.memory_space<vmem>>
        tpu.wait_dma2 semaphore(%arg11 : memref<!tpu.dma_semaphore, #tpu.memory_space<semaphore_mem>>) src(%dma_wait3A_622 : memref<8x512xi32, #tpu.memory_space<vmem>>) dst(%dma_wait3A_618 : memref<8x512xi32, #tpu.memory_space<hbm>>)
        %sub3A_623 = arith.constant 2 : i32
        %sub3A_624 = arith.subi %add3A_466, %sub3A_623 : i32
        %mul3A_625 = arith.constant 8 : i32
        %mul3A_626 = arith.muli %mul3A_625, %sub3A_624 : i32
        %dma_wait3A_627 = arith.constant 3 : i32
        %dma_wait3A_628 = arith.constant 3 : i32
        %dma_wait3A_629 = arith.constant 0 : i32
        %dma_wait3A_630 = arith.constant 0 : i32
        %dma_wait3A_631 = tpu.memref_slice %arg7[%dma_wait3A_627, %dma_wait3A_629, %dma_wait3A_630] : memref<5x8x512xi32, #tpu.memory_space<vmem>> -> memref<1x8x512xi32, #tpu.memory_space<vmem>>
        %dma_wait3A_632 = tpu.memref_squeeze %dma_wait3A_631 : memref<1x8x512xi32, #tpu.memory_space<vmem>> -> memref<8x512xi32, #tpu.memory_space<vmem>>
        %dma_wait3A_633 = tpu.memref_slice %arg3[%dma_wait3A_628, %mul3A_626, %multiple_of3A] : memref<5x200x16384xi32, #tpu.memory_space<hbm>> -> memref<1x8x512xi32, #tpu.memory_space<hbm>>
        %dma_wait3A_634 = tpu.memref_squeeze %dma_wait3A_633 : memref<1x8x512xi32, #tpu.memory_space<hbm>> -> memref<8x512xi32, #tpu.memory_space<hbm>>
        %dma_wait3A_635 = tpu.memref_slice %arg3[%dma_wait3A_628, %mul3A_626, %multiple_of3A] : memref<5x200x16384xi32, #tpu.memory_space<hbm>> -> memref<1x8x512xi32, #tpu.memory_space<hbm>>
        %dma_wait3A_636 = tpu.memref_squeeze %dma_wait3A_635 : memref<1x8x512xi32, #tpu.memory_space<hbm>> -> memref<8x512xi32, #tpu.memory_space<hbm>>
        %dma_wait3A_637 = arith.constant 0 : i32
        %dma_wait3A_638 = arith.constant 0 : i32
        %dma_wait3A_639 = tpu.memref_slice %arg7[%dma_wait3A_627, %dma_wait3A_637, %dma_wait3A_638] : memref<5x8x512xi32, #tpu.memory_space<vmem>> -> memref<1x8x512xi32, #tpu.memory_space<vmem>>
        %dma_wait3A_640 = tpu.memref_squeeze %dma_wait3A_639 : memref<1x8x512xi32, #tpu.memory_space<vmem>> -> memref<8x512xi32, #tpu.memory_space<vmem>>
        tpu.wait_dma2 semaphore(%arg11 : memref<!tpu.dma_semaphore, #tpu.memory_space<semaphore_mem>>) src(%dma_wait3A_640 : memref<8x512xi32, #tpu.memory_space<vmem>>) dst(%dma_wait3A_636 : memref<8x512xi32, #tpu.memory_space<hbm>>)
        %sub3A_641 = arith.constant 2 : i32
        %sub3A_642 = arith.subi %add3A_466, %sub3A_641 : i32
        %mul3A_643 = arith.constant 8 : i32
        %mul3A_644 = arith.muli %mul3A_643, %sub3A_642 : i32
        %dma_wait3A_645 = arith.constant 4 : i32
        %dma_wait3A_646 = arith.constant 4 : i32
        %dma_wait3A_647 = arith.constant 0 : i32
        %dma_wait3A_648 = arith.constant 0 : i32
        %dma_wait3A_649 = tpu.memref_slice %arg7[%dma_wait3A_645, %dma_wait3A_647, %dma_wait3A_648] : memref<5x8x512xi32, #tpu.memory_space<vmem>> -> memref<1x8x512xi32, #tpu.memory_space<vmem>>
        %dma_wait3A_650 = tpu.memref_squeeze %dma_wait3A_649 : memref<1x8x512xi32, #tpu.memory_space<vmem>> -> memref<8x512xi32, #tpu.memory_space<vmem>>
        %dma_wait3A_651 = tpu.memref_slice %arg3[%dma_wait3A_646, %mul3A_644, %multiple_of3A] : memref<5x200x16384xi32, #tpu.memory_space<hbm>> -> memref<1x8x512xi32, #tpu.memory_space<hbm>>
        %dma_wait3A_652 = tpu.memref_squeeze %dma_wait3A_651 : memref<1x8x512xi32, #tpu.memory_space<hbm>> -> memref<8x512xi32, #tpu.memory_space<hbm>>
        %dma_wait3A_653 = tpu.memref_slice %arg3[%dma_wait3A_646, %mul3A_644, %multiple_of3A] : memref<5x200x16384xi32, #tpu.memory_space<hbm>> -> memref<1x8x512xi32, #tpu.memory_space<hbm>>
        %dma_wait3A_654 = tpu.memref_squeeze %dma_wait3A_653 : memref<1x8x512xi32, #tpu.memory_space<hbm>> -> memref<8x512xi32, #tpu.memory_space<hbm>>
        %dma_wait3A_655 = arith.constant 0 : i32
        %dma_wait3A_656 = arith.constant 0 : i32
        %dma_wait3A_657 = tpu.memref_slice %arg7[%dma_wait3A_645, %dma_wait3A_655, %dma_wait3A_656] : memref<5x8x512xi32, #tpu.memory_space<vmem>> -> memref<1x8x512xi32, #tpu.memory_space<vmem>>
        %dma_wait3A_658 = tpu.memref_squeeze %dma_wait3A_657 : memref<1x8x512xi32, #tpu.memory_space<vmem>> -> memref<8x512xi32, #tpu.memory_space<vmem>>
        tpu.wait_dma2 semaphore(%arg11 : memref<!tpu.dma_semaphore, #tpu.memory_space<semaphore_mem>>) src(%dma_wait3A_658 : memref<8x512xi32, #tpu.memory_space<vmem>>) dst(%dma_wait3A_654 : memref<8x512xi32, #tpu.memory_space<hbm>>)
      } else {
      }
      %scan3A_476 = arith.constant 0 : i32
      %scan3A_477 = arith.constant 0 : i32
      %scan3A_478 = arith.constant 8 : i32
      %scan3A_479 = arith.addi %scan3A_477, %scan3A_478 : i32
      %scan3A_480 = arith.constant 1 : i32
      scf.for %scan3A_570 = %scan3A_477 to %scan3A_479 step %scan3A_480  : i32 {
        %scan3A_571 = arith.constant 0 : i32
        %scan3A_572 = arith.constant 0 : i32
        %scan3A_573 = arith.constant 32 : i32
        %scan3A_574 = arith.addi %scan3A_572, %scan3A_573 : i32
        %scan3A_575 = arith.constant 2 : i32
        scf.for %scan3A_577 = %scan3A_572 to %scan3A_574 step %scan3A_575  : i32 {
          %mul3A_578 = arith.constant 16 : i32
          %mul3A_579 = arith.muli %scan3A_577, %mul3A_578 : i32
          %get3A = arith.index_cast %scan3A_570 : i32 to index
          %get3A_580 = arith.index_cast %mul3A_579 : i32 to index
          %get3A_581 = tpu.vector_load %arg5[%get3A, %get3A_580] {strides = array<i32>} : memref<8x512xi32, #tpu.memory_space<vmem>>, vector<16xi32>,
          %eq3A = arith.cmpi eq, %get3A_581, %broadcast_in_dim3A_3 : vector<16xi32>
          %select_n3A = arith.select %eq3A, %broadcast_in_dim3A_13, %broadcast_in_dim3A_15 : vector<16xi1>, vector<16xi32>
          %mul3A_582 = arith.constant 16 : i32
          %mul3A_583 = arith.muli %scan3A_577, %mul3A_582 : i32
          %swap3A = arith.constant 0 : i32
          %swap3A_584 = arith.index_cast %swap3A : i32 to index
          %swap3A_585 = arith.index_cast %scan3A_570 : i32 to index
          %swap3A_586 = arith.index_cast %mul3A_583 : i32 to index
          %swap3A_587 = tpu.vector_load %arg7[%swap3A_584, %swap3A_585, %swap3A_586] {strides = array<i32>} : memref<5x8x512xi32, #tpu.memory_space<vmem>>, vector<16xi32>,
          tpu.vector_store %arg7[%swap3A_584, %swap3A_585, %swap3A_586], %select_n3A {strides = array<i32>} : memref<5x8x512xi32, #tpu.memory_space<vmem>>, vector<16xi32>,
          %eq3A_588 = arith.cmpi eq, %get3A_581, %broadcast_in_dim3A_5 : vector<16xi32>
          %select_n3A_589 = arith.select %eq3A_588, %broadcast_in_dim3A_13, %broadcast_in_dim3A_15 : vector<16xi1>, vector<16xi32>
          %mul3A_590 = arith.constant 16 : i32
          %mul3A_591 = arith.muli %scan3A_577, %mul3A_590 : i32
          %swap3A_592 = arith.constant 1 : i32
          %swap3A_593 = arith.index_cast %swap3A_592 : i32 to index
          %swap3A_594 = arith.index_cast %scan3A_570 : i32 to index
          %swap3A_595 = arith.index_cast %mul3A_591 : i32 to index
          %swap3A_596 = tpu.vector_load %arg7[%swap3A_593, %swap3A_594, %swap3A_595] {strides = array<i32>} : memref<5x8x512xi32, #tpu.memory_space<vmem>>, vector<16xi32>,
          tpu.vector_store %arg7[%swap3A_593, %swap3A_594, %swap3A_595], %select_n3A_589 {strides = array<i32>} : memref<5x8x512xi32, #tpu.memory_space<vmem>>, vector<16xi32>,
          %eq3A_597 = arith.cmpi eq, %get3A_581, %broadcast_in_dim3A_7 : vector<16xi32>
          %select_n3A_598 = arith.select %eq3A_597, %broadcast_in_dim3A_13, %broadcast_in_dim3A_15 : vector<16xi1>, vector<16xi32>
          %mul3A_599 = arith.constant 16 : i32
          %mul3A_600 = arith.muli %scan3A_577, %mul3A_599 : i32
          %swap3A_601 = arith.constant 2 : i32
          %swap3A_602 = arith.index_cast %swap3A_601 : i32 to index
          %swap3A_603 = arith.index_cast %scan3A_570 : i32 to index
          %swap3A_604 = arith.index_cast %mul3A_600 : i32 to index
          %swap3A_605 = tpu.vector_load %arg7[%swap3A_602, %swap3A_603, %swap3A_604] {strides = array<i32>} : memref<5x8x512xi32, #tpu.memory_space<vmem>>, vector<16xi32>,
          tpu.vector_store %arg7[%swap3A_602, %swap3A_603, %swap3A_604], %select_n3A_598 {strides = array<i32>} : memref<5x8x512xi32, #tpu.memory_space<vmem>>, vector<16xi32>,
          %eq3A_606 = arith.cmpi eq, %get3A_581, %broadcast_in_dim3A_9 : vector<16xi32>
          %select_n3A_607 = arith.select %eq3A_606, %broadcast_in_dim3A_13, %broadcast_in_dim3A_15 : vector<16xi1>, vector<16xi32>
          %mul3A_608 = arith.constant 16 : i32
          %mul3A_609 = arith.muli %scan3A_577, %mul3A_608 : i32
          %swap3A_610 = arith.constant 3 : i32
          %swap3A_611 = arith.index_cast %swap3A_610 : i32 to index
          %swap3A_612 = arith.index_cast %scan3A_570 : i32 to index
          %swap3A_613 = arith.index_cast %mul3A_609 : i32 to index
          %swap3A_614 = tpu.vector_load %arg7[%swap3A_611, %swap3A_612, %swap3A_613] {strides = array<i32>} : memref<5x8x512xi32, #tpu.memory_space<vmem>>, vector<16xi32>,
          tpu.vector_store %arg7[%swap3A_611, %swap3A_612, %swap3A_613], %select_n3A_607 {strides = array<i32>} : memref<5x8x512xi32, #tpu.memory_space<vmem>>, vector<16xi32>,
          %eq3A_615 = arith.cmpi eq, %get3A_581, %broadcast_in_dim3A_11 : vector<16xi32>
          %select_n3A_616 = arith.select %eq3A_615, %broadcast_in_dim3A_13, %broadcast_in_dim3A_15 : vector<16xi1>, vector<16xi32>
          %mul3A_617 = arith.constant 16 : i32
          %mul3A_618 = arith.muli %scan3A_577, %mul3A_617 : i32
          %swap3A_619 = arith.constant 4 : i32
          %swap3A_620 = arith.index_cast %swap3A_619 : i32 to index
          %swap3A_621 = arith.index_cast %scan3A_570 : i32 to index
          %swap3A_622 = arith.index_cast %mul3A_618 : i32 to index
          %swap3A_623 = tpu.vector_load %arg7[%swap3A_620, %swap3A_621, %swap3A_622] {strides = array<i32>} : memref<5x8x512xi32, #tpu.memory_space<vmem>>, vector<16xi32>,
          tpu.vector_store %arg7[%swap3A_620, %swap3A_621, %swap3A_622], %select_n3A_616 {strides = array<i32>} : memref<5x8x512xi32, #tpu.memory_space<vmem>>, vector<16xi32>,
          %scan3A_624 = arith.constant 1 : i32
          %scan3A_625 = arith.addi %scan3A_577, %scan3A_624 : i32
          %mul3A_626 = arith.constant 16 : i32
          %mul3A_627 = arith.muli %scan3A_625, %mul3A_626 : i32
          %get3A_628 = arith.index_cast %scan3A_570 : i32 to index
          %get3A_629 = arith.index_cast %mul3A_627 : i32 to index
          %get3A_630 = tpu.vector_load %arg5[%get3A_628, %get3A_629] {strides = array<i32>} : memref<8x512xi32, #tpu.memory_space<vmem>>, vector<16xi32>,
          %eq3A_631 = arith.cmpi eq, %get3A_630, %broadcast_in_dim3A_3 : vector<16xi32>
          %select_n3A_632 = arith.select %eq3A_631, %broadcast_in_dim3A_13, %broadcast_in_dim3A_15 : vector<16xi1>, vector<16xi32>
          %mul3A_633 = arith.constant 16 : i32
          %mul3A_634 = arith.muli %scan3A_625, %mul3A_633 : i32
          %swap3A_635 = arith.constant 0 : i32
          %swap3A_636 = arith.index_cast %swap3A_635 : i32 to index
          %swap3A_637 = arith.index_cast %scan3A_570 : i32 to index
          %swap3A_638 = arith.index_cast %mul3A_634 : i32 to index
          %swap3A_639 = tpu.vector_load %arg7[%swap3A_636, %swap3A_637, %swap3A_638] {strides = array<i32>} : memref<5x8x512xi32, #tpu.memory_space<vmem>>, vector<16xi32>,
          tpu.vector_store %arg7[%swap3A_636, %swap3A_637, %swap3A_638], %select_n3A_632 {strides = array<i32>} : memref<5x8x512xi32, #tpu.memory_space<vmem>>, vector<16xi32>,
          %eq3A_640 = arith.cmpi eq, %get3A_630, %broadcast_in_dim3A_5 : vector<16xi32>
          %select_n3A_641 = arith.select %eq3A_640, %broadcast_in_dim3A_13, %broadcast_in_dim3A_15 : vector<16xi1>, vector<16xi32>
          %mul3A_642 = arith.constant 16 : i32
          %mul3A_643 = arith.muli %scan3A_625, %mul3A_642 : i32
          %swap3A_644 = arith.constant 1 : i32
          %swap3A_645 = arith.index_cast %swap3A_644 : i32 to index
          %swap3A_646 = arith.index_cast %scan3A_570 : i32 to index
          %swap3A_647 = arith.index_cast %mul3A_643 : i32 to index
          %swap3A_648 = tpu.vector_load %arg7[%swap3A_645, %swap3A_646, %swap3A_647] {strides = array<i32>} : memref<5x8x512xi32, #tpu.memory_space<vmem>>, vector<16xi32>,
          tpu.vector_store %arg7[%swap3A_645, %swap3A_646, %swap3A_647], %select_n3A_641 {strides = array<i32>} : memref<5x8x512xi32, #tpu.memory_space<vmem>>, vector<16xi32>,
          %eq3A_649 = arith.cmpi eq, %get3A_630, %broadcast_in_dim3A_7 : vector<16xi32>
          %select_n3A_650 = arith.select %eq3A_649, %broadcast_in_dim3A_13, %broadcast_in_dim3A_15 : vector<16xi1>, vector<16xi32>
          %mul3A_651 = arith.constant 16 : i32
          %mul3A_652 = arith.muli %scan3A_625, %mul3A_651 : i32
          %swap3A_653 = arith.constant 2 : i32
          %swap3A_654 = arith.index_cast %swap3A_653 : i32 to index
          %swap3A_655 = arith.index_cast %scan3A_570 : i32 to index
          %swap3A_656 = arith.index_cast %mul3A_652 : i32 to index
          %swap3A_657 = tpu.vector_load %arg7[%swap3A_654, %swap3A_655, %swap3A_656] {strides = array<i32>} : memref<5x8x512xi32, #tpu.memory_space<vmem>>, vector<16xi32>,
          tpu.vector_store %arg7[%swap3A_654, %swap3A_655, %swap3A_656], %select_n3A_650 {strides = array<i32>} : memref<5x8x512xi32, #tpu.memory_space<vmem>>, vector<16xi32>,
          %eq3A_658 = arith.cmpi eq, %get3A_630, %broadcast_in_dim3A_9 : vector<16xi32>
          %select_n3A_659 = arith.select %eq3A_658, %broadcast_in_dim3A_13, %broadcast_in_dim3A_15 : vector<16xi1>, vector<16xi32>
          %mul3A_660 = arith.constant 16 : i32
          %mul3A_661 = arith.muli %scan3A_625, %mul3A_660 : i32
          %swap3A_662 = arith.constant 3 : i32
          %swap3A_663 = arith.index_cast %swap3A_662 : i32 to index
          %swap3A_664 = arith.index_cast %scan3A_570 : i32 to index
          %swap3A_665 = arith.index_cast %mul3A_661 : i32 to index
          %swap3A_666 = tpu.vector_load %arg7[%swap3A_663, %swap3A_664, %swap3A_665] {strides = array<i32>} : memref<5x8x512xi32, #tpu.memory_space<vmem>>, vector<16xi32>,
          tpu.vector_store %arg7[%swap3A_663, %swap3A_664, %swap3A_665], %select_n3A_659 {strides = array<i32>} : memref<5x8x512xi32, #tpu.memory_space<vmem>>, vector<16xi32>,
          %eq3A_667 = arith.cmpi eq, %get3A_630, %broadcast_in_dim3A_11 : vector<16xi32>
          %select_n3A_668 = arith.select %eq3A_667, %broadcast_in_dim3A_13, %broadcast_in_dim3A_15 : vector<16xi1>, vector<16xi32>
          %mul3A_669 = arith.constant 16 : i32
          %mul3A_670 = arith.muli %scan3A_625, %mul3A_669 : i32
          %swap3A_671 = arith.constant 4 : i32
          %swap3A_672 = arith.index_cast %swap3A_671 : i32 to index
          %swap3A_673 = arith.index_cast %scan3A_570 : i32 to index
          %swap3A_674 = arith.index_cast %mul3A_670 : i32 to index
          %swap3A_675 = tpu.vector_load %arg7[%swap3A_672, %swap3A_673, %swap3A_674] {strides = array<i32>} : memref<5x8x512xi32, #tpu.memory_space<vmem>>, vector<16xi32>,
          tpu.vector_store %arg7[%swap3A_672, %swap3A_673, %swap3A_674], %select_n3A_668 {strides = array<i32>} : memref<5x8x512xi32, #tpu.memory_space<vmem>>, vector<16xi32>,
        }
        %scan3A_576 = arith.constant 32 : i32
      }
      %scan3A_481 = arith.constant 8 : i32
      %mul3A_482 = arith.constant 8 : i32
      %mul3A_483 = arith.muli %mul3A_482, %add3A_466 : i32
      %dma_start3A_484 = arith.constant 0 : i32
      %dma_start3A_485 = arith.constant 0 : i32
      %dma_start3A_486 = arith.constant 0 : i32
      %dma_start3A_487 = arith.constant 0 : i32
      %dma_start3A_488 = tpu.memref_slice %arg7[%dma_start3A_484, %dma_start3A_486, %dma_start3A_487] : memref<5x8x512xi32, #tpu.memory_space<vmem>> -> memref<1x8x512xi32, #tpu.memory_space<vmem>>
      %dma_start3A_489 = tpu.memref_squeeze %dma_start3A_488 : memref<1x8x512xi32, #tpu.memory_space<vmem>> -> memref<8x512xi32, #tpu.memory_space<vmem>>
      %dma_start3A_490 = tpu.memref_slice %arg3[%dma_start3A_485, %mul3A_483, %multiple_of3A] : memref<5x200x16384xi32, #tpu.memory_space<hbm>> -> memref<1x8x512xi32, #tpu.memory_space<hbm>>
      %dma_start3A_491 = tpu.memref_squeeze %dma_start3A_490 : memref<1x8x512xi32, #tpu.memory_space<hbm>> -> memref<8x512xi32, #tpu.memory_space<hbm>>
      %dma_start3A_492 = tpu.memref_slice %arg3[%dma_start3A_485, %mul3A_483, %multiple_of3A] : memref<5x200x16384xi32, #tpu.memory_space<hbm>> -> memref<1x8x512xi32, #tpu.memory_space<hbm>>
      %dma_start3A_493 = tpu.memref_squeeze %dma_start3A_492 : memref<1x8x512xi32, #tpu.memory_space<hbm>> -> memref<8x512xi32, #tpu.memory_space<hbm>>
      %dma_start3A_494 = arith.constant 0 : i32
      %dma_start3A_495 = arith.constant 0 : i32
      %dma_start3A_496 = tpu.memref_slice %arg7[%dma_start3A_484, %dma_start3A_494, %dma_start3A_495] : memref<5x8x512xi32, #tpu.memory_space<vmem>> -> memref<1x8x512xi32, #tpu.memory_space<vmem>>
      %dma_start3A_497 = tpu.memref_squeeze %dma_start3A_496 : memref<1x8x512xi32, #tpu.memory_space<vmem>> -> memref<8x512xi32, #tpu.memory_space<vmem>>
      tpu.enqueue_dma source(%dma_start3A_497 : memref<8x512xi32, #tpu.memory_space<vmem>>) target(%dma_start3A_493 : memref<8x512xi32, #tpu.memory_space<hbm>>) target_semaphore(%arg11 : memref<!tpu.dma_semaphore, #tpu.memory_space<semaphore_mem>>)
      %mul3A_498 = arith.constant 8 : i32
      %mul3A_499 = arith.muli %mul3A_498, %add3A_466 : i32
      %dma_start3A_500 = arith.constant 1 : i32
      %dma_start3A_501 = arith.constant 1 : i32
      %dma_start3A_502 = arith.constant 0 : i32
      %dma_start3A_503 = arith.constant 0 : i32
      %dma_start3A_504 = tpu.memref_slice %arg7[%dma_start3A_500, %dma_start3A_502, %dma_start3A_503] : memref<5x8x512xi32, #tpu.memory_space<vmem>> -> memref<1x8x512xi32, #tpu.memory_space<vmem>>
      %dma_start3A_505 = tpu.memref_squeeze %dma_start3A_504 : memref<1x8x512xi32, #tpu.memory_space<vmem>> -> memref<8x512xi32, #tpu.memory_space<vmem>>
      %dma_start3A_506 = tpu.memref_slice %arg3[%dma_start3A_501, %mul3A_499, %multiple_of3A] : memref<5x200x16384xi32, #tpu.memory_space<hbm>> -> memref<1x8x512xi32, #tpu.memory_space<hbm>>
      %dma_start3A_507 = tpu.memref_squeeze %dma_start3A_506 : memref<1x8x512xi32, #tpu.memory_space<hbm>> -> memref<8x512xi32, #tpu.memory_space<hbm>>
      %dma_start3A_508 = tpu.memref_slice %arg3[%dma_start3A_501, %mul3A_499, %multiple_of3A] : memref<5x200x16384xi32, #tpu.memory_space<hbm>> -> memref<1x8x512xi32, #tpu.memory_space<hbm>>
      %dma_start3A_509 = tpu.memref_squeeze %dma_start3A_508 : memref<1x8x512xi32, #tpu.memory_space<hbm>> -> memref<8x512xi32, #tpu.memory_space<hbm>>
      %dma_start3A_510 = arith.constant 0 : i32
      %dma_start3A_511 = arith.constant 0 : i32
      %dma_start3A_512 = tpu.memref_slice %arg7[%dma_start3A_500, %dma_start3A_510, %dma_start3A_511] : memref<5x8x512xi32, #tpu.memory_space<vmem>> -> memref<1x8x512xi32, #tpu.memory_space<vmem>>
      %dma_start3A_513 = tpu.memref_squeeze %dma_start3A_512 : memref<1x8x512xi32, #tpu.memory_space<vmem>> -> memref<8x512xi32, #tpu.memory_space<vmem>>
      tpu.enqueue_dma source(%dma_start3A_513 : memref<8x512xi32, #tpu.memory_space<vmem>>) target(%dma_start3A_509 : memref<8x512xi32, #tpu.memory_space<hbm>>) target_semaphore(%arg11 : memref<!tpu.dma_semaphore, #tpu.memory_space<semaphore_mem>>)
      %mul3A_514 = arith.constant 8 : i32
      %mul3A_515 = arith.muli %mul3A_514, %add3A_466 : i32
      %dma_start3A_516 = arith.constant 2 : i32
      %dma_start3A_517 = arith.constant 2 : i32
      %dma_start3A_518 = arith.constant 0 : i32
      %dma_start3A_519 = arith.constant 0 : i32
      %dma_start3A_520 = tpu.memref_slice %arg7[%dma_start3A_516, %dma_start3A_518, %dma_start3A_519] : memref<5x8x512xi32, #tpu.memory_space<vmem>> -> memref<1x8x512xi32, #tpu.memory_space<vmem>>
      %dma_start3A_521 = tpu.memref_squeeze %dma_start3A_520 : memref<1x8x512xi32, #tpu.memory_space<vmem>> -> memref<8x512xi32, #tpu.memory_space<vmem>>
      %dma_start3A_522 = tpu.memref_slice %arg3[%dma_start3A_517, %mul3A_515, %multiple_of3A] : memref<5x200x16384xi32, #tpu.memory_space<hbm>> -> memref<1x8x512xi32, #tpu.memory_space<hbm>>
      %dma_start3A_523 = tpu.memref_squeeze %dma_start3A_522 : memref<1x8x512xi32, #tpu.memory_space<hbm>> -> memref<8x512xi32, #tpu.memory_space<hbm>>
      %dma_start3A_524 = tpu.memref_slice %arg3[%dma_start3A_517, %mul3A_515, %multiple_of3A] : memref<5x200x16384xi32, #tpu.memory_space<hbm>> -> memref<1x8x512xi32, #tpu.memory_space<hbm>>
      %dma_start3A_525 = tpu.memref_squeeze %dma_start3A_524 : memref<1x8x512xi32, #tpu.memory_space<hbm>> -> memref<8x512xi32, #tpu.memory_space<hbm>>
      %dma_start3A_526 = arith.constant 0 : i32
      %dma_start3A_527 = arith.constant 0 : i32
      %dma_start3A_528 = tpu.memref_slice %arg7[%dma_start3A_516, %dma_start3A_526, %dma_start3A_527] : memref<5x8x512xi32, #tpu.memory_space<vmem>> -> memref<1x8x512xi32, #tpu.memory_space<vmem>>
      %dma_start3A_529 = tpu.memref_squeeze %dma_start3A_528 : memref<1x8x512xi32, #tpu.memory_space<vmem>> -> memref<8x512xi32, #tpu.memory_space<vmem>>
      tpu.enqueue_dma source(%dma_start3A_529 : memref<8x512xi32, #tpu.memory_space<vmem>>) target(%dma_start3A_525 : memref<8x512xi32, #tpu.memory_space<hbm>>) target_semaphore(%arg11 : memref<!tpu.dma_semaphore, #tpu.memory_space<semaphore_mem>>)
      %mul3A_530 = arith.constant 8 : i32
      %mul3A_531 = arith.muli %mul3A_530, %add3A_466 : i32
      %dma_start3A_532 = arith.constant 3 : i32
      %dma_start3A_533 = arith.constant 3 : i32
      %dma_start3A_534 = arith.constant 0 : i32
      %dma_start3A_535 = arith.constant 0 : i32
      %dma_start3A_536 = tpu.memref_slice %arg7[%dma_start3A_532, %dma_start3A_534, %dma_start3A_535] : memref<5x8x512xi32, #tpu.memory_space<vmem>> -> memref<1x8x512xi32, #tpu.memory_space<vmem>>
      %dma_start3A_537 = tpu.memref_squeeze %dma_start3A_536 : memref<1x8x512xi32, #tpu.memory_space<vmem>> -> memref<8x512xi32, #tpu.memory_space<vmem>>
      %dma_start3A_538 = tpu.memref_slice %arg3[%dma_start3A_533, %mul3A_531, %multiple_of3A] : memref<5x200x16384xi32, #tpu.memory_space<hbm>> -> memref<1x8x512xi32, #tpu.memory_space<hbm>>
      %dma_start3A_539 = tpu.memref_squeeze %dma_start3A_538 : memref<1x8x512xi32, #tpu.memory_space<hbm>> -> memref<8x512xi32, #tpu.memory_space<hbm>>
      %dma_start3A_540 = tpu.memref_slice %arg3[%dma_start3A_533, %mul3A_531, %multiple_of3A] : memref<5x200x16384xi32, #tpu.memory_space<hbm>> -> memref<1x8x512xi32, #tpu.memory_space<hbm>>
      %dma_start3A_541 = tpu.memref_squeeze %dma_start3A_540 : memref<1x8x512xi32, #tpu.memory_space<hbm>> -> memref<8x512xi32, #tpu.memory_space<hbm>>
      %dma_start3A_542 = arith.constant 0 : i32
      %dma_start3A_543 = arith.constant 0 : i32
      %dma_start3A_544 = tpu.memref_slice %arg7[%dma_start3A_532, %dma_start3A_542, %dma_start3A_543] : memref<5x8x512xi32, #tpu.memory_space<vmem>> -> memref<1x8x512xi32, #tpu.memory_space<vmem>>
      %dma_start3A_545 = tpu.memref_squeeze %dma_start3A_544 : memref<1x8x512xi32, #tpu.memory_space<vmem>> -> memref<8x512xi32, #tpu.memory_space<vmem>>
      tpu.enqueue_dma source(%dma_start3A_545 : memref<8x512xi32, #tpu.memory_space<vmem>>) target(%dma_start3A_541 : memref<8x512xi32, #tpu.memory_space<hbm>>) target_semaphore(%arg11 : memref<!tpu.dma_semaphore, #tpu.memory_space<semaphore_mem>>)
      %mul3A_546 = arith.constant 8 : i32
      %mul3A_547 = arith.muli %mul3A_546, %add3A_466 : i32
      %dma_start3A_548 = arith.constant 4 : i32
      %dma_start3A_549 = arith.constant 4 : i32
      %dma_start3A_550 = arith.constant 0 : i32
      %dma_start3A_551 = arith.constant 0 : i32
      %dma_start3A_552 = tpu.memref_slice %arg7[%dma_start3A_548, %dma_start3A_550, %dma_start3A_551] : memref<5x8x512xi32, #tpu.memory_space<vmem>> -> memref<1x8x512xi32, #tpu.memory_space<vmem>>
      %dma_start3A_553 = tpu.memref_squeeze %dma_start3A_552 : memref<1x8x512xi32, #tpu.memory_space<vmem>> -> memref<8x512xi32, #tpu.memory_space<vmem>>
      %dma_start3A_554 = tpu.memref_slice %arg3[%dma_start3A_549, %mul3A_547, %multiple_of3A] : memref<5x200x16384xi32, #tpu.memory_space<hbm>> -> memref<1x8x512xi32, #tpu.memory_space<hbm>>
      %dma_start3A_555 = tpu.memref_squeeze %dma_start3A_554 : memref<1x8x512xi32, #tpu.memory_space<hbm>> -> memref<8x512xi32, #tpu.memory_space<hbm>>
      %dma_start3A_556 = tpu.memref_slice %arg3[%dma_start3A_549, %mul3A_547, %multiple_of3A] : memref<5x200x16384xi32, #tpu.memory_space<hbm>> -> memref<1x8x512xi32, #tpu.memory_space<hbm>>
      %dma_start3A_557 = tpu.memref_squeeze %dma_start3A_556 : memref<1x8x512xi32, #tpu.memory_space<hbm>> -> memref<8x512xi32, #tpu.memory_space<hbm>>
      %dma_start3A_558 = arith.constant 0 : i32
      %dma_start3A_559 = arith.constant 0 : i32
      %dma_start3A_560 = tpu.memref_slice %arg7[%dma_start3A_548, %dma_start3A_558, %dma_start3A_559] : memref<5x8x512xi32, #tpu.memory_space<vmem>> -> memref<1x8x512xi32, #tpu.memory_space<vmem>>
      %dma_start3A_561 = tpu.memref_squeeze %dma_start3A_560 : memref<1x8x512xi32, #tpu.memory_space<vmem>> -> memref<8x512xi32, #tpu.memory_space<vmem>>
      tpu.enqueue_dma source(%dma_start3A_561 : memref<8x512xi32, #tpu.memory_space<vmem>>) target(%dma_start3A_557 : memref<8x512xi32, #tpu.memory_space<hbm>>) target_semaphore(%arg11 : memref<!tpu.dma_semaphore, #tpu.memory_space<semaphore_mem>>)
      %add3A_562 = arith.constant 2 : i32
      %add3A_563 = arith.addi %add3A_466, %add3A_562 : i32
      %rem3A_564 = arith.constant 25 : i32
      %rem3A_565 = arith.remsi %add3A_563, %rem3A_564 : i32
      %mul3A_566 = arith.constant 8 : i32
      %mul3A_567 = arith.muli %mul3A_566, %rem3A_565 : i32
      %dma_start3A_568 = tpu.memref_slice %arg2[%mul3A_567, %multiple_of3A] : memref<200x16384xi32, #tpu.memory_space<hbm>> -> memref<8x512xi32, #tpu.memory_space<hbm>>
      %dma_start3A_569 = tpu.memref_slice %arg2[%mul3A_567, %multiple_of3A] : memref<200x16384xi32, #tpu.memory_space<hbm>> -> memref<8x512xi32, #tpu.memory_space<hbm>>
      tpu.enqueue_dma source(%dma_start3A_569 : memref<8x512xi32, #tpu.memory_space<hbm>>) target(%arg5 : memref<8x512xi32, #tpu.memory_space<vmem>>) target_semaphore(%arg9 : memref<!tpu.dma_semaphore, #tpu.memory_space<semaphore_mem>>)
    }
    %scan3A_27 = arith.constant 12 : i32
    %dma_wait3A = arith.constant 192 : i32
    %dma_wait3A_28 = tpu.memref_slice %arg2[%dma_wait3A, %multiple_of3A] : memref<200x16384xi32, #tpu.memory_space<hbm>> -> memref<8x512xi32, #tpu.memory_space<hbm>>
    %dma_wait3A_29 = arith.constant 192 : i32
    %dma_wait3A_30 = tpu.memref_slice %arg2[%dma_wait3A_29, %multiple_of3A] : memref<200x16384xi32, #tpu.memory_space<hbm>> -> memref<8x512xi32, #tpu.memory_space<hbm>>
    tpu.wait_dma2 semaphore(%arg8 : memref<!tpu.dma_semaphore, #tpu.memory_space<semaphore_mem>>) src(%dma_wait3A_30 : memref<8x512xi32, #tpu.memory_space<hbm>>) dst(%arg4 : memref<8x512xi32, #tpu.memory_space<vmem>>)
    %dma_wait3A_31 = arith.constant 0 : i32
    %dma_wait3A_32 = arith.constant 0 : i32
    %dma_wait3A_33 = arith.constant 0 : i32
    %dma_wait3A_34 = arith.constant 0 : i32
    %dma_wait3A_35 = tpu.memref_slice %arg6[%dma_wait3A_31, %dma_wait3A_33, %dma_wait3A_34] : memref<5x8x512xi32, #tpu.memory_space<vmem>> -> memref<1x8x512xi32, #tpu.memory_space<vmem>>
    %dma_wait3A_36 = tpu.memref_squeeze %dma_wait3A_35 : memref<1x8x512xi32, #tpu.memory_space<vmem>> -> memref<8x512xi32, #tpu.memory_space<vmem>>
    %dma_wait3A_37 = arith.constant 176 : i32
    %dma_wait3A_38 = tpu.memref_slice %arg3[%dma_wait3A_32, %dma_wait3A_37, %multiple_of3A] : memref<5x200x16384xi32, #tpu.memory_space<hbm>> -> memref<1x8x512xi32, #tpu.memory_space<hbm>>
    %dma_wait3A_39 = tpu.memref_squeeze %dma_wait3A_38 : memref<1x8x512xi32, #tpu.memory_space<hbm>> -> memref<8x512xi32, #tpu.memory_space<hbm>>
    %dma_wait3A_40 = arith.constant 176 : i32
    %dma_wait3A_41 = tpu.memref_slice %arg3[%dma_wait3A_32, %dma_wait3A_40, %multiple_of3A] : memref<5x200x16384xi32, #tpu.memory_space<hbm>> -> memref<1x8x512xi32, #tpu.memory_space<hbm>>
    %dma_wait3A_42 = tpu.memref_squeeze %dma_wait3A_41 : memref<1x8x512xi32, #tpu.memory_space<hbm>> -> memref<8x512xi32, #tpu.memory_space<hbm>>
    %dma_wait3A_43 = arith.constant 0 : i32
    %dma_wait3A_44 = arith.constant 0 : i32
    %dma_wait3A_45 = tpu.memref_slice %arg6[%dma_wait3A_31, %dma_wait3A_43, %dma_wait3A_44] : memref<5x8x512xi32, #tpu.memory_space<vmem>> -> memref<1x8x512xi32, #tpu.memory_space<vmem>>
    %dma_wait3A_46 = tpu.memref_squeeze %dma_wait3A_45 : memref<1x8x512xi32, #tpu.memory_space<vmem>> -> memref<8x512xi32, #tpu.memory_space<vmem>>
    tpu.wait_dma2 semaphore(%arg10 : memref<!tpu.dma_semaphore, #tpu.memory_space<semaphore_mem>>) src(%dma_wait3A_46 : memref<8x512xi32, #tpu.memory_space<vmem>>) dst(%dma_wait3A_42 : memref<8x512xi32, #tpu.memory_space<hbm>>)
    %dma_wait3A_47 = arith.constant 1 : i32
    %dma_wait3A_48 = arith.constant 1 : i32
    %dma_wait3A_49 = arith.constant 0 : i32
    %dma_wait3A_50 = arith.constant 0 : i32
    %dma_wait3A_51 = tpu.memref_slice %arg6[%dma_wait3A_47, %dma_wait3A_49, %dma_wait3A_50] : memref<5x8x512xi32, #tpu.memory_space<vmem>> -> memref<1x8x512xi32, #tpu.memory_space<vmem>>
    %dma_wait3A_52 = tpu.memref_squeeze %dma_wait3A_51 : memref<1x8x512xi32, #tpu.memory_space<vmem>> -> memref<8x512xi32, #tpu.memory_space<vmem>>
    %dma_wait3A_53 = arith.constant 176 : i32
    %dma_wait3A_54 = tpu.memref_slice %arg3[%dma_wait3A_48, %dma_wait3A_53, %multiple_of3A] : memref<5x200x16384xi32, #tpu.memory_space<hbm>> -> memref<1x8x512xi32, #tpu.memory_space<hbm>>
    %dma_wait3A_55 = tpu.memref_squeeze %dma_wait3A_54 : memref<1x8x512xi32, #tpu.memory_space<hbm>> -> memref<8x512xi32, #tpu.memory_space<hbm>>
    %dma_wait3A_56 = arith.constant 176 : i32
    %dma_wait3A_57 = tpu.memref_slice %arg3[%dma_wait3A_48, %dma_wait3A_56, %multiple_of3A] : memref<5x200x16384xi32, #tpu.memory_space<hbm>> -> memref<1x8x512xi32, #tpu.memory_space<hbm>>
    %dma_wait3A_58 = tpu.memref_squeeze %dma_wait3A_57 : memref<1x8x512xi32, #tpu.memory_space<hbm>> -> memref<8x512xi32, #tpu.memory_space<hbm>>
    %dma_wait3A_59 = arith.constant 0 : i32
    %dma_wait3A_60 = arith.constant 0 : i32
    %dma_wait3A_61 = tpu.memref_slice %arg6[%dma_wait3A_47, %dma_wait3A_59, %dma_wait3A_60] : memref<5x8x512xi32, #tpu.memory_space<vmem>> -> memref<1x8x512xi32, #tpu.memory_space<vmem>>
    %dma_wait3A_62 = tpu.memref_squeeze %dma_wait3A_61 : memref<1x8x512xi32, #tpu.memory_space<vmem>> -> memref<8x512xi32, #tpu.memory_space<vmem>>
    tpu.wait_dma2 semaphore(%arg10 : memref<!tpu.dma_semaphore, #tpu.memory_space<semaphore_mem>>) src(%dma_wait3A_62 : memref<8x512xi32, #tpu.memory_space<vmem>>) dst(%dma_wait3A_58 : memref<8x512xi32, #tpu.memory_space<hbm>>)
    %dma_wait3A_63 = arith.constant 2 : i32
    %dma_wait3A_64 = arith.constant 2 : i32
    %dma_wait3A_65 = arith.constant 0 : i32
    %dma_wait3A_66 = arith.constant 0 : i32
    %dma_wait3A_67 = tpu.memref_slice %arg6[%dma_wait3A_63, %dma_wait3A_65, %dma_wait3A_66] : memref<5x8x512xi32, #tpu.memory_space<vmem>> -> memref<1x8x512xi32, #tpu.memory_space<vmem>>
    %dma_wait3A_68 = tpu.memref_squeeze %dma_wait3A_67 : memref<1x8x512xi32, #tpu.memory_space<vmem>> -> memref<8x512xi32, #tpu.memory_space<vmem>>
    %dma_wait3A_69 = arith.constant 176 : i32
    %dma_wait3A_70 = tpu.memref_slice %arg3[%dma_wait3A_64, %dma_wait3A_69, %multiple_of3A] : memref<5x200x16384xi32, #tpu.memory_space<hbm>> -> memref<1x8x512xi32, #tpu.memory_space<hbm>>
    %dma_wait3A_71 = tpu.memref_squeeze %dma_wait3A_70 : memref<1x8x512xi32, #tpu.memory_space<hbm>> -> memref<8x512xi32, #tpu.memory_space<hbm>>
    %dma_wait3A_72 = arith.constant 176 : i32
    %dma_wait3A_73 = tpu.memref_slice %arg3[%dma_wait3A_64, %dma_wait3A_72, %multiple_of3A] : memref<5x200x16384xi32, #tpu.memory_space<hbm>> -> memref<1x8x512xi32, #tpu.memory_space<hbm>>
    %dma_wait3A_74 = tpu.memref_squeeze %dma_wait3A_73 : memref<1x8x512xi32, #tpu.memory_space<hbm>> -> memref<8x512xi32, #tpu.memory_space<hbm>>
    %dma_wait3A_75 = arith.constant 0 : i32
    %dma_wait3A_76 = arith.constant 0 : i32
    %dma_wait3A_77 = tpu.memref_slice %arg6[%dma_wait3A_63, %dma_wait3A_75, %dma_wait3A_76] : memref<5x8x512xi32, #tpu.memory_space<vmem>> -> memref<1x8x512xi32, #tpu.memory_space<vmem>>
    %dma_wait3A_78 = tpu.memref_squeeze %dma_wait3A_77 : memref<1x8x512xi32, #tpu.memory_space<vmem>> -> memref<8x512xi32, #tpu.memory_space<vmem>>
    tpu.wait_dma2 semaphore(%arg10 : memref<!tpu.dma_semaphore, #tpu.memory_space<semaphore_mem>>) src(%dma_wait3A_78 : memref<8x512xi32, #tpu.memory_space<vmem>>) dst(%dma_wait3A_74 : memref<8x512xi32, #tpu.memory_space<hbm>>)
    %dma_wait3A_79 = arith.constant 3 : i32
    %dma_wait3A_80 = arith.constant 3 : i32
    %dma_wait3A_81 = arith.constant 0 : i32
    %dma_wait3A_82 = arith.constant 0 : i32
    %dma_wait3A_83 = tpu.memref_slice %arg6[%dma_wait3A_79, %dma_wait3A_81, %dma_wait3A_82] : memref<5x8x512xi32, #tpu.memory_space<vmem>> -> memref<1x8x512xi32, #tpu.memory_space<vmem>>
    %dma_wait3A_84 = tpu.memref_squeeze %dma_wait3A_83 : memref<1x8x512xi32, #tpu.memory_space<vmem>> -> memref<8x512xi32, #tpu.memory_space<vmem>>
    %dma_wait3A_85 = arith.constant 176 : i32
    %dma_wait3A_86 = tpu.memref_slice %arg3[%dma_wait3A_80, %dma_wait3A_85, %multiple_of3A] : memref<5x200x16384xi32, #tpu.memory_space<hbm>> -> memref<1x8x512xi32, #tpu.memory_space<hbm>>
    %dma_wait3A_87 = tpu.memref_squeeze %dma_wait3A_86 : memref<1x8x512xi32, #tpu.memory_space<hbm>> -> memref<8x512xi32, #tpu.memory_space<hbm>>
    %dma_wait3A_88 = arith.constant 176 : i32
    %dma_wait3A_89 = tpu.memref_slice %arg3[%dma_wait3A_80, %dma_wait3A_88, %multiple_of3A] : memref<5x200x16384xi32, #tpu.memory_space<hbm>> -> memref<1x8x512xi32, #tpu.memory_space<hbm>>
    %dma_wait3A_90 = tpu.memref_squeeze %dma_wait3A_89 : memref<1x8x512xi32, #tpu.memory_space<hbm>> -> memref<8x512xi32, #tpu.memory_space<hbm>>
    %dma_wait3A_91 = arith.constant 0 : i32
    %dma_wait3A_92 = arith.constant 0 : i32
    %dma_wait3A_93 = tpu.memref_slice %arg6[%dma_wait3A_79, %dma_wait3A_91, %dma_wait3A_92] : memref<5x8x512xi32, #tpu.memory_space<vmem>> -> memref<1x8x512xi32, #tpu.memory_space<vmem>>
    %dma_wait3A_94 = tpu.memref_squeeze %dma_wait3A_93 : memref<1x8x512xi32, #tpu.memory_space<vmem>> -> memref<8x512xi32, #tpu.memory_space<vmem>>
    tpu.wait_dma2 semaphore(%arg10 : memref<!tpu.dma_semaphore, #tpu.memory_space<semaphore_mem>>) src(%dma_wait3A_94 : memref<8x512xi32, #tpu.memory_space<vmem>>) dst(%dma_wait3A_90 : memref<8x512xi32, #tpu.memory_space<hbm>>)
    %dma_wait3A_95 = arith.constant 4 : i32
    %dma_wait3A_96 = arith.constant 4 : i32
    %dma_wait3A_97 = arith.constant 0 : i32
    %dma_wait3A_98 = arith.constant 0 : i32
    %dma_wait3A_99 = tpu.memref_slice %arg6[%dma_wait3A_95, %dma_wait3A_97, %dma_wait3A_98] : memref<5x8x512xi32, #tpu.memory_space<vmem>> -> memref<1x8x512xi32, #tpu.memory_space<vmem>>
    %dma_wait3A_100 = tpu.memref_squeeze %dma_wait3A_99 : memref<1x8x512xi32, #tpu.memory_space<vmem>> -> memref<8x512xi32, #tpu.memory_space<vmem>>
    %dma_wait3A_101 = arith.constant 176 : i32
    %dma_wait3A_102 = tpu.memref_slice %arg3[%dma_wait3A_96, %dma_wait3A_101, %multiple_of3A] : memref<5x200x16384xi32, #tpu.memory_space<hbm>> -> memref<1x8x512xi32, #tpu.memory_space<hbm>>
    %dma_wait3A_103 = tpu.memref_squeeze %dma_wait3A_102 : memref<1x8x512xi32, #tpu.memory_space<hbm>> -> memref<8x512xi32, #tpu.memory_space<hbm>>
    %dma_wait3A_104 = arith.constant 176 : i32
    %dma_wait3A_105 = tpu.memref_slice %arg3[%dma_wait3A_96, %dma_wait3A_104, %multiple_of3A] : memref<5x200x16384xi32, #tpu.memory_space<hbm>> -> memref<1x8x512xi32, #tpu.memory_space<hbm>>
    %dma_wait3A_106 = tpu.memref_squeeze %dma_wait3A_105 : memref<1x8x512xi32, #tpu.memory_space<hbm>> -> memref<8x512xi32, #tpu.memory_space<hbm>>
    %dma_wait3A_107 = arith.constant 0 : i32
    %dma_wait3A_108 = arith.constant 0 : i32
    %dma_wait3A_109 = tpu.memref_slice %arg6[%dma_wait3A_95, %dma_wait3A_107, %dma_wait3A_108] : memref<5x8x512xi32, #tpu.memory_space<vmem>> -> memref<1x8x512xi32, #tpu.memory_space<vmem>>
    %dma_wait3A_110 = tpu.memref_squeeze %dma_wait3A_109 : memref<1x8x512xi32, #tpu.memory_space<vmem>> -> memref<8x512xi32, #tpu.memory_space<vmem>>
    tpu.wait_dma2 semaphore(%arg10 : memref<!tpu.dma_semaphore, #tpu.memory_space<semaphore_mem>>) src(%dma_wait3A_110 : memref<8x512xi32, #tpu.memory_space<vmem>>) dst(%dma_wait3A_106 : memref<8x512xi32, #tpu.memory_space<hbm>>)
    %scan3A_111 = arith.constant 0 : i32
    %scan3A_112 = arith.constant 0 : i32
    %scan3A_113 = arith.constant 8 : i32
    %scan3A_114 = arith.addi %scan3A_112, %scan3A_113 : i32
    %scan3A_115 = arith.constant 1 : i32
    scf.for %scan3A_361 = %scan3A_112 to %scan3A_114 step %scan3A_115  : i32 {
      %scan3A_362 = arith.constant 0 : i32
      %scan3A_363 = arith.constant 0 : i32
      %scan3A_364 = arith.constant 32 : i32
      %scan3A_365 = arith.addi %scan3A_363, %scan3A_364 : i32
      %scan3A_366 = arith.constant 2 : i32
      scf.for %scan3A_368 = %scan3A_363 to %scan3A_365 step %scan3A_366  : i32 {
        %mul3A_369 = arith.constant 16 : i32
        %mul3A_370 = arith.muli %scan3A_368, %mul3A_369 : i32
        %get3A = arith.index_cast %scan3A_361 : i32 to index
        %get3A_371 = arith.index_cast %mul3A_370 : i32 to index
        %get3A_372 = tpu.vector_load %arg4[%get3A, %get3A_371] {strides = array<i32>} : memref<8x512xi32, #tpu.memory_space<vmem>>, vector<16xi32>,
        %eq3A = arith.cmpi eq, %get3A_372, %broadcast_in_dim3A_3 : vector<16xi32>
        %select_n3A = arith.select %eq3A, %broadcast_in_dim3A_13, %broadcast_in_dim3A_15 : vector<16xi1>, vector<16xi32>
        %mul3A_373 = arith.constant 16 : i32
        %mul3A_374 = arith.muli %scan3A_368, %mul3A_373 : i32
        %swap3A = arith.constant 0 : i32
        %swap3A_375 = arith.index_cast %swap3A : i32 to index
        %swap3A_376 = arith.index_cast %scan3A_361 : i32 to index
        %swap3A_377 = arith.index_cast %mul3A_374 : i32 to index
        %swap3A_378 = tpu.vector_load %arg6[%swap3A_375, %swap3A_376, %swap3A_377] {strides = array<i32>} : memref<5x8x512xi32, #tpu.memory_space<vmem>>, vector<16xi32>,
        tpu.vector_store %arg6[%swap3A_375, %swap3A_376, %swap3A_377], %select_n3A {strides = array<i32>} : memref<5x8x512xi32, #tpu.memory_space<vmem>>, vector<16xi32>,
        %eq3A_379 = arith.cmpi eq, %get3A_372, %broadcast_in_dim3A_5 : vector<16xi32>
        %select_n3A_380 = arith.select %eq3A_379, %broadcast_in_dim3A_13, %broadcast_in_dim3A_15 : vector<16xi1>, vector<16xi32>
        %mul3A_381 = arith.constant 16 : i32
        %mul3A_382 = arith.muli %scan3A_368, %mul3A_381 : i32
        %swap3A_383 = arith.constant 1 : i32
        %swap3A_384 = arith.index_cast %swap3A_383 : i32 to index
        %swap3A_385 = arith.index_cast %scan3A_361 : i32 to index
        %swap3A_386 = arith.index_cast %mul3A_382 : i32 to index
        %swap3A_387 = tpu.vector_load %arg6[%swap3A_384, %swap3A_385, %swap3A_386] {strides = array<i32>} : memref<5x8x512xi32, #tpu.memory_space<vmem>>, vector<16xi32>,
        tpu.vector_store %arg6[%swap3A_384, %swap3A_385, %swap3A_386], %select_n3A_380 {strides = array<i32>} : memref<5x8x512xi32, #tpu.memory_space<vmem>>, vector<16xi32>,
        %eq3A_388 = arith.cmpi eq, %get3A_372, %broadcast_in_dim3A_7 : vector<16xi32>
        %select_n3A_389 = arith.select %eq3A_388, %broadcast_in_dim3A_13, %broadcast_in_dim3A_15 : vector<16xi1>, vector<16xi32>
        %mul3A_390 = arith.constant 16 : i32
        %mul3A_391 = arith.muli %scan3A_368, %mul3A_390 : i32
        %swap3A_392 = arith.constant 2 : i32
        %swap3A_393 = arith.index_cast %swap3A_392 : i32 to index
        %swap3A_394 = arith.index_cast %scan3A_361 : i32 to index
        %swap3A_395 = arith.index_cast %mul3A_391 : i32 to index
        %swap3A_396 = tpu.vector_load %arg6[%swap3A_393, %swap3A_394, %swap3A_395] {strides = array<i32>} : memref<5x8x512xi32, #tpu.memory_space<vmem>>, vector<16xi32>,
        tpu.vector_store %arg6[%swap3A_393, %swap3A_394, %swap3A_395], %select_n3A_389 {strides = array<i32>} : memref<5x8x512xi32, #tpu.memory_space<vmem>>, vector<16xi32>,
        %eq3A_397 = arith.cmpi eq, %get3A_372, %broadcast_in_dim3A_9 : vector<16xi32>
        %select_n3A_398 = arith.select %eq3A_397, %broadcast_in_dim3A_13, %broadcast_in_dim3A_15 : vector<16xi1>, vector<16xi32>
        %mul3A_399 = arith.constant 16 : i32
        %mul3A_400 = arith.muli %scan3A_368, %mul3A_399 : i32
        %swap3A_401 = arith.constant 3 : i32
        %swap3A_402 = arith.index_cast %swap3A_401 : i32 to index
        %swap3A_403 = arith.index_cast %scan3A_361 : i32 to index
        %swap3A_404 = arith.index_cast %mul3A_400 : i32 to index
        %swap3A_405 = tpu.vector_load %arg6[%swap3A_402, %swap3A_403, %swap3A_404] {strides = array<i32>} : memref<5x8x512xi32, #tpu.memory_space<vmem>>, vector<16xi32>,
        tpu.vector_store %arg6[%swap3A_402, %swap3A_403, %swap3A_404], %select_n3A_398 {strides = array<i32>} : memref<5x8x512xi32, #tpu.memory_space<vmem>>, vector<16xi32>,
        %eq3A_406 = arith.cmpi eq, %get3A_372, %broadcast_in_dim3A_11 : vector<16xi32>
        %select_n3A_407 = arith.select %eq3A_406, %broadcast_in_dim3A_13, %broadcast_in_dim3A_15 : vector<16xi1>, vector<16xi32>
        %mul3A_408 = arith.constant 16 : i32
        %mul3A_409 = arith.muli %scan3A_368, %mul3A_408 : i32
        %swap3A_410 = arith.constant 4 : i32
        %swap3A_411 = arith.index_cast %swap3A_410 : i32 to index
        %swap3A_412 = arith.index_cast %scan3A_361 : i32 to index
        %swap3A_413 = arith.index_cast %mul3A_409 : i32 to index
        %swap3A_414 = tpu.vector_load %arg6[%swap3A_411, %swap3A_412, %swap3A_413] {strides = array<i32>} : memref<5x8x512xi32, #tpu.memory_space<vmem>>, vector<16xi32>,
        tpu.vector_store %arg6[%swap3A_411, %swap3A_412, %swap3A_413], %select_n3A_407 {strides = array<i32>} : memref<5x8x512xi32, #tpu.memory_space<vmem>>, vector<16xi32>,
        %scan3A_415 = arith.constant 1 : i32
        %scan3A_416 = arith.addi %scan3A_368, %scan3A_415 : i32
        %mul3A_417 = arith.constant 16 : i32
        %mul3A_418 = arith.muli %scan3A_416, %mul3A_417 : i32
        %get3A_419 = arith.index_cast %scan3A_361 : i32 to index
        %get3A_420 = arith.index_cast %mul3A_418 : i32 to index
        %get3A_421 = tpu.vector_load %arg4[%get3A_419, %get3A_420] {strides = array<i32>} : memref<8x512xi32, #tpu.memory_space<vmem>>, vector<16xi32>,
        %eq3A_422 = arith.cmpi eq, %get3A_421, %broadcast_in_dim3A_3 : vector<16xi32>
        %select_n3A_423 = arith.select %eq3A_422, %broadcast_in_dim3A_13, %broadcast_in_dim3A_15 : vector<16xi1>, vector<16xi32>
        %mul3A_424 = arith.constant 16 : i32
        %mul3A_425 = arith.muli %scan3A_416, %mul3A_424 : i32
        %swap3A_426 = arith.constant 0 : i32
        %swap3A_427 = arith.index_cast %swap3A_426 : i32 to index
        %swap3A_428 = arith.index_cast %scan3A_361 : i32 to index
        %swap3A_429 = arith.index_cast %mul3A_425 : i32 to index
        %swap3A_430 = tpu.vector_load %arg6[%swap3A_427, %swap3A_428, %swap3A_429] {strides = array<i32>} : memref<5x8x512xi32, #tpu.memory_space<vmem>>, vector<16xi32>,
        tpu.vector_store %arg6[%swap3A_427, %swap3A_428, %swap3A_429], %select_n3A_423 {strides = array<i32>} : memref<5x8x512xi32, #tpu.memory_space<vmem>>, vector<16xi32>,
        %eq3A_431 = arith.cmpi eq, %get3A_421, %broadcast_in_dim3A_5 : vector<16xi32>
        %select_n3A_432 = arith.select %eq3A_431, %broadcast_in_dim3A_13, %broadcast_in_dim3A_15 : vector<16xi1>, vector<16xi32>
        %mul3A_433 = arith.constant 16 : i32
        %mul3A_434 = arith.muli %scan3A_416, %mul3A_433 : i32
        %swap3A_435 = arith.constant 1 : i32
        %swap3A_436 = arith.index_cast %swap3A_435 : i32 to index
        %swap3A_437 = arith.index_cast %scan3A_361 : i32 to index
        %swap3A_438 = arith.index_cast %mul3A_434 : i32 to index
        %swap3A_439 = tpu.vector_load %arg6[%swap3A_436, %swap3A_437, %swap3A_438] {strides = array<i32>} : memref<5x8x512xi32, #tpu.memory_space<vmem>>, vector<16xi32>,
        tpu.vector_store %arg6[%swap3A_436, %swap3A_437, %swap3A_438], %select_n3A_432 {strides = array<i32>} : memref<5x8x512xi32, #tpu.memory_space<vmem>>, vector<16xi32>,
        %eq3A_440 = arith.cmpi eq, %get3A_421, %broadcast_in_dim3A_7 : vector<16xi32>
        %select_n3A_441 = arith.select %eq3A_440, %broadcast_in_dim3A_13, %broadcast_in_dim3A_15 : vector<16xi1>, vector<16xi32>
        %mul3A_442 = arith.constant 16 : i32
        %mul3A_443 = arith.muli %scan3A_416, %mul3A_442 : i32
        %swap3A_444 = arith.constant 2 : i32
        %swap3A_445 = arith.index_cast %swap3A_444 : i32 to index
        %swap3A_446 = arith.index_cast %scan3A_361 : i32 to index
        %swap3A_447 = arith.index_cast %mul3A_443 : i32 to index
        %swap3A_448 = tpu.vector_load %arg6[%swap3A_445, %swap3A_446, %swap3A_447] {strides = array<i32>} : memref<5x8x512xi32, #tpu.memory_space<vmem>>, vector<16xi32>,
        tpu.vector_store %arg6[%swap3A_445, %swap3A_446, %swap3A_447], %select_n3A_441 {strides = array<i32>} : memref<5x8x512xi32, #tpu.memory_space<vmem>>, vector<16xi32>,
        %eq3A_449 = arith.cmpi eq, %get3A_421, %broadcast_in_dim3A_9 : vector<16xi32>
        %select_n3A_450 = arith.select %eq3A_449, %broadcast_in_dim3A_13, %broadcast_in_dim3A_15 : vector<16xi1>, vector<16xi32>
        %mul3A_451 = arith.constant 16 : i32
        %mul3A_452 = arith.muli %scan3A_416, %mul3A_451 : i32
        %swap3A_453 = arith.constant 3 : i32
        %swap3A_454 = arith.index_cast %swap3A_453 : i32 to index
        %swap3A_455 = arith.index_cast %scan3A_361 : i32 to index
        %swap3A_456 = arith.index_cast %mul3A_452 : i32 to index
        %swap3A_457 = tpu.vector_load %arg6[%swap3A_454, %swap3A_455, %swap3A_456] {strides = array<i32>} : memref<5x8x512xi32, #tpu.memory_space<vmem>>, vector<16xi32>,
        tpu.vector_store %arg6[%swap3A_454, %swap3A_455, %swap3A_456], %select_n3A_450 {strides = array<i32>} : memref<5x8x512xi32, #tpu.memory_space<vmem>>, vector<16xi32>,
        %eq3A_458 = arith.cmpi eq, %get3A_421, %broadcast_in_dim3A_11 : vector<16xi32>
        %select_n3A_459 = arith.select %eq3A_458, %broadcast_in_dim3A_13, %broadcast_in_dim3A_15 : vector<16xi1>, vector<16xi32>
        %mul3A_460 = arith.constant 16 : i32
        %mul3A_461 = arith.muli %scan3A_416, %mul3A_460 : i32
        %swap3A_462 = arith.constant 4 : i32
        %swap3A_463 = arith.index_cast %swap3A_462 : i32 to index
        %swap3A_464 = arith.index_cast %scan3A_361 : i32 to index
        %swap3A_465 = arith.index_cast %mul3A_461 : i32 to index
        %swap3A_466 = tpu.vector_load %arg6[%swap3A_463, %swap3A_464, %swap3A_465] {strides = array<i32>} : memref<5x8x512xi32, #tpu.memory_space<vmem>>, vector<16xi32>,
        tpu.vector_store %arg6[%swap3A_463, %swap3A_464, %swap3A_465], %select_n3A_459 {strides = array<i32>} : memref<5x8x512xi32, #tpu.memory_space<vmem>>, vector<16xi32>,
      }
      %scan3A_367 = arith.constant 32 : i32
    }
    %scan3A_116 = arith.constant 8 : i32
    %dma_start3A_117 = arith.constant 0 : i32
    %dma_start3A_118 = arith.constant 0 : i32
    %dma_start3A_119 = arith.constant 0 : i32
    %dma_start3A_120 = arith.constant 0 : i32
    %dma_start3A_121 = tpu.memref_slice %arg6[%dma_start3A_117, %dma_start3A_119, %dma_start3A_120] : memref<5x8x512xi32, #tpu.memory_space<vmem>> -> memref<1x8x512xi32, #tpu.memory_space<vmem>>
    %dma_start3A_122 = tpu.memref_squeeze %dma_start3A_121 : memref<1x8x512xi32, #tpu.memory_space<vmem>> -> memref<8x512xi32, #tpu.memory_space<vmem>>
    %dma_start3A_123 = arith.constant 192 : i32
    %dma_start3A_124 = tpu.memref_slice %arg3[%dma_start3A_118, %dma_start3A_123, %multiple_of3A] : memref<5x200x16384xi32, #tpu.memory_space<hbm>> -> memref<1x8x512xi32, #tpu.memory_space<hbm>>
    %dma_start3A_125 = tpu.memref_squeeze %dma_start3A_124 : memref<1x8x512xi32, #tpu.memory_space<hbm>> -> memref<8x512xi32, #tpu.memory_space<hbm>>
    %dma_start3A_126 = arith.constant 192 : i32
    %dma_start3A_127 = tpu.memref_slice %arg3[%dma_start3A_118, %dma_start3A_126, %multiple_of3A] : memref<5x200x16384xi32, #tpu.memory_space<hbm>> -> memref<1x8x512xi32, #tpu.memory_space<hbm>>
    %dma_start3A_128 = tpu.memref_squeeze %dma_start3A_127 : memref<1x8x512xi32, #tpu.memory_space<hbm>> -> memref<8x512xi32, #tpu.memory_space<hbm>>
    %dma_start3A_129 = arith.constant 0 : i32
    %dma_start3A_130 = arith.constant 0 : i32
    %dma_start3A_131 = tpu.memref_slice %arg6[%dma_start3A_117, %dma_start3A_129, %dma_start3A_130] : memref<5x8x512xi32, #tpu.memory_space<vmem>> -> memref<1x8x512xi32, #tpu.memory_space<vmem>>
    %dma_start3A_132 = tpu.memref_squeeze %dma_start3A_131 : memref<1x8x512xi32, #tpu.memory_space<vmem>> -> memref<8x512xi32, #tpu.memory_space<vmem>>
    tpu.enqueue_dma source(%dma_start3A_132 : memref<8x512xi32, #tpu.memory_space<vmem>>) target(%dma_start3A_128 : memref<8x512xi32, #tpu.memory_space<hbm>>) target_semaphore(%arg10 : memref<!tpu.dma_semaphore, #tpu.memory_space<semaphore_mem>>)
    %dma_start3A_133 = arith.constant 1 : i32
    %dma_start3A_134 = arith.constant 1 : i32
    %dma_start3A_135 = arith.constant 0 : i32
    %dma_start3A_136 = arith.constant 0 : i32
    %dma_start3A_137 = tpu.memref_slice %arg6[%dma_start3A_133, %dma_start3A_135, %dma_start3A_136] : memref<5x8x512xi32, #tpu.memory_space<vmem>> -> memref<1x8x512xi32, #tpu.memory_space<vmem>>
    %dma_start3A_138 = tpu.memref_squeeze %dma_start3A_137 : memref<1x8x512xi32, #tpu.memory_space<vmem>> -> memref<8x512xi32, #tpu.memory_space<vmem>>
    %dma_start3A_139 = arith.constant 192 : i32
    %dma_start3A_140 = tpu.memref_slice %arg3[%dma_start3A_134, %dma_start3A_139, %multiple_of3A] : memref<5x200x16384xi32, #tpu.memory_space<hbm>> -> memref<1x8x512xi32, #tpu.memory_space<hbm>>
    %dma_start3A_141 = tpu.memref_squeeze %dma_start3A_140 : memref<1x8x512xi32, #tpu.memory_space<hbm>> -> memref<8x512xi32, #tpu.memory_space<hbm>>
    %dma_start3A_142 = arith.constant 192 : i32
    %dma_start3A_143 = tpu.memref_slice %arg3[%dma_start3A_134, %dma_start3A_142, %multiple_of3A] : memref<5x200x16384xi32, #tpu.memory_space<hbm>> -> memref<1x8x512xi32, #tpu.memory_space<hbm>>
    %dma_start3A_144 = tpu.memref_squeeze %dma_start3A_143 : memref<1x8x512xi32, #tpu.memory_space<hbm>> -> memref<8x512xi32, #tpu.memory_space<hbm>>
    %dma_start3A_145 = arith.constant 0 : i32
    %dma_start3A_146 = arith.constant 0 : i32
    %dma_start3A_147 = tpu.memref_slice %arg6[%dma_start3A_133, %dma_start3A_145, %dma_start3A_146] : memref<5x8x512xi32, #tpu.memory_space<vmem>> -> memref<1x8x512xi32, #tpu.memory_space<vmem>>
    %dma_start3A_148 = tpu.memref_squeeze %dma_start3A_147 : memref<1x8x512xi32, #tpu.memory_space<vmem>> -> memref<8x512xi32, #tpu.memory_space<vmem>>
    tpu.enqueue_dma source(%dma_start3A_148 : memref<8x512xi32, #tpu.memory_space<vmem>>) target(%dma_start3A_144 : memref<8x512xi32, #tpu.memory_space<hbm>>) target_semaphore(%arg10 : memref<!tpu.dma_semaphore, #tpu.memory_space<semaphore_mem>>)
    %dma_start3A_149 = arith.constant 2 : i32
    %dma_start3A_150 = arith.constant 2 : i32
    %dma_start3A_151 = arith.constant 0 : i32
    %dma_start3A_152 = arith.constant 0 : i32
    %dma_start3A_153 = tpu.memref_slice %arg6[%dma_start3A_149, %dma_start3A_151, %dma_start3A_152] : memref<5x8x512xi32, #tpu.memory_space<vmem>> -> memref<1x8x512xi32, #tpu.memory_space<vmem>>
    %dma_start3A_154 = tpu.memref_squeeze %dma_start3A_153 : memref<1x8x512xi32, #tpu.memory_space<vmem>> -> memref<8x512xi32, #tpu.memory_space<vmem>>
    %dma_start3A_155 = arith.constant 192 : i32
    %dma_start3A_156 = tpu.memref_slice %arg3[%dma_start3A_150, %dma_start3A_155, %multiple_of3A] : memref<5x200x16384xi32, #tpu.memory_space<hbm>> -> memref<1x8x512xi32, #tpu.memory_space<hbm>>
    %dma_start3A_157 = tpu.memref_squeeze %dma_start3A_156 : memref<1x8x512xi32, #tpu.memory_space<hbm>> -> memref<8x512xi32, #tpu.memory_space<hbm>>
    %dma_start3A_158 = arith.constant 192 : i32
    %dma_start3A_159 = tpu.memref_slice %arg3[%dma_start3A_150, %dma_start3A_158, %multiple_of3A] : memref<5x200x16384xi32, #tpu.memory_space<hbm>> -> memref<1x8x512xi32, #tpu.memory_space<hbm>>
    %dma_start3A_160 = tpu.memref_squeeze %dma_start3A_159 : memref<1x8x512xi32, #tpu.memory_space<hbm>> -> memref<8x512xi32, #tpu.memory_space<hbm>>
    %dma_start3A_161 = arith.constant 0 : i32
    %dma_start3A_162 = arith.constant 0 : i32
    %dma_start3A_163 = tpu.memref_slice %arg6[%dma_start3A_149, %dma_start3A_161, %dma_start3A_162] : memref<5x8x512xi32, #tpu.memory_space<vmem>> -> memref<1x8x512xi32, #tpu.memory_space<vmem>>
    %dma_start3A_164 = tpu.memref_squeeze %dma_start3A_163 : memref<1x8x512xi32, #tpu.memory_space<vmem>> -> memref<8x512xi32, #tpu.memory_space<vmem>>
    tpu.enqueue_dma source(%dma_start3A_164 : memref<8x512xi32, #tpu.memory_space<vmem>>) target(%dma_start3A_160 : memref<8x512xi32, #tpu.memory_space<hbm>>) target_semaphore(%arg10 : memref<!tpu.dma_semaphore, #tpu.memory_space<semaphore_mem>>)
    %dma_start3A_165 = arith.constant 3 : i32
    %dma_start3A_166 = arith.constant 3 : i32
    %dma_start3A_167 = arith.constant 0 : i32
    %dma_start3A_168 = arith.constant 0 : i32
    %dma_start3A_169 = tpu.memref_slice %arg6[%dma_start3A_165, %dma_start3A_167, %dma_start3A_168] : memref<5x8x512xi32, #tpu.memory_space<vmem>> -> memref<1x8x512xi32, #tpu.memory_space<vmem>>
    %dma_start3A_170 = tpu.memref_squeeze %dma_start3A_169 : memref<1x8x512xi32, #tpu.memory_space<vmem>> -> memref<8x512xi32, #tpu.memory_space<vmem>>
    %dma_start3A_171 = arith.constant 192 : i32
    %dma_start3A_172 = tpu.memref_slice %arg3[%dma_start3A_166, %dma_start3A_171, %multiple_of3A] : memref<5x200x16384xi32, #tpu.memory_space<hbm>> -> memref<1x8x512xi32, #tpu.memory_space<hbm>>
    %dma_start3A_173 = tpu.memref_squeeze %dma_start3A_172 : memref<1x8x512xi32, #tpu.memory_space<hbm>> -> memref<8x512xi32, #tpu.memory_space<hbm>>
    %dma_start3A_174 = arith.constant 192 : i32
    %dma_start3A_175 = tpu.memref_slice %arg3[%dma_start3A_166, %dma_start3A_174, %multiple_of3A] : memref<5x200x16384xi32, #tpu.memory_space<hbm>> -> memref<1x8x512xi32, #tpu.memory_space<hbm>>
    %dma_start3A_176 = tpu.memref_squeeze %dma_start3A_175 : memref<1x8x512xi32, #tpu.memory_space<hbm>> -> memref<8x512xi32, #tpu.memory_space<hbm>>
    %dma_start3A_177 = arith.constant 0 : i32
    %dma_start3A_178 = arith.constant 0 : i32
    %dma_start3A_179 = tpu.memref_slice %arg6[%dma_start3A_165, %dma_start3A_177, %dma_start3A_178] : memref<5x8x512xi32, #tpu.memory_space<vmem>> -> memref<1x8x512xi32, #tpu.memory_space<vmem>>
    %dma_start3A_180 = tpu.memref_squeeze %dma_start3A_179 : memref<1x8x512xi32, #tpu.memory_space<vmem>> -> memref<8x512xi32, #tpu.memory_space<vmem>>
    tpu.enqueue_dma source(%dma_start3A_180 : memref<8x512xi32, #tpu.memory_space<vmem>>) target(%dma_start3A_176 : memref<8x512xi32, #tpu.memory_space<hbm>>) target_semaphore(%arg10 : memref<!tpu.dma_semaphore, #tpu.memory_space<semaphore_mem>>)
    %dma_start3A_181 = arith.constant 4 : i32
    %dma_start3A_182 = arith.constant 4 : i32
    %dma_start3A_183 = arith.constant 0 : i32
    %dma_start3A_184 = arith.constant 0 : i32
    %dma_start3A_185 = tpu.memref_slice %arg6[%dma_start3A_181, %dma_start3A_183, %dma_start3A_184] : memref<5x8x512xi32, #tpu.memory_space<vmem>> -> memref<1x8x512xi32, #tpu.memory_space<vmem>>
    %dma_start3A_186 = tpu.memref_squeeze %dma_start3A_185 : memref<1x8x512xi32, #tpu.memory_space<vmem>> -> memref<8x512xi32, #tpu.memory_space<vmem>>
    %dma_start3A_187 = arith.constant 192 : i32
    %dma_start3A_188 = tpu.memref_slice %arg3[%dma_start3A_182, %dma_start3A_187, %multiple_of3A] : memref<5x200x16384xi32, #tpu.memory_space<hbm>> -> memref<1x8x512xi32, #tpu.memory_space<hbm>>
    %dma_start3A_189 = tpu.memref_squeeze %dma_start3A_188 : memref<1x8x512xi32, #tpu.memory_space<hbm>> -> memref<8x512xi32, #tpu.memory_space<hbm>>
    %dma_start3A_190 = arith.constant 192 : i32
    %dma_start3A_191 = tpu.memref_slice %arg3[%dma_start3A_182, %dma_start3A_190, %multiple_of3A] : memref<5x200x16384xi32, #tpu.memory_space<hbm>> -> memref<1x8x512xi32, #tpu.memory_space<hbm>>
    %dma_start3A_192 = tpu.memref_squeeze %dma_start3A_191 : memref<1x8x512xi32, #tpu.memory_space<hbm>> -> memref<8x512xi32, #tpu.memory_space<hbm>>
    %dma_start3A_193 = arith.constant 0 : i32
    %dma_start3A_194 = arith.constant 0 : i32
    %dma_start3A_195 = tpu.memref_slice %arg6[%dma_start3A_181, %dma_start3A_193, %dma_start3A_194] : memref<5x8x512xi32, #tpu.memory_space<vmem>> -> memref<1x8x512xi32, #tpu.memory_space<vmem>>
    %dma_start3A_196 = tpu.memref_squeeze %dma_start3A_195 : memref<1x8x512xi32, #tpu.memory_space<vmem>> -> memref<8x512xi32, #tpu.memory_space<vmem>>
    tpu.enqueue_dma source(%dma_start3A_196 : memref<8x512xi32, #tpu.memory_space<vmem>>) target(%dma_start3A_192 : memref<8x512xi32, #tpu.memory_space<hbm>>) target_semaphore(%arg10 : memref<!tpu.dma_semaphore, #tpu.memory_space<semaphore_mem>>)
    %dma_wait3A_197 = arith.constant 0 : i32
    %dma_wait3A_198 = arith.constant 0 : i32
    %dma_wait3A_199 = arith.constant 0 : i32
    %dma_wait3A_200 = arith.constant 0 : i32
    %dma_wait3A_201 = tpu.memref_slice %arg7[%dma_wait3A_197, %dma_wait3A_199, %dma_wait3A_200] : memref<5x8x512xi32, #tpu.memory_space<vmem>> -> memref<1x8x512xi32, #tpu.memory_space<vmem>>
    %dma_wait3A_202 = tpu.memref_squeeze %dma_wait3A_201 : memref<1x8x512xi32, #tpu.memory_space<vmem>> -> memref<8x512xi32, #tpu.memory_space<vmem>>
    %dma_wait3A_203 = arith.constant 184 : i32
    %dma_wait3A_204 = tpu.memref_slice %arg3[%dma_wait3A_198, %dma_wait3A_203, %multiple_of3A] : memref<5x200x16384xi32, #tpu.memory_space<hbm>> -> memref<1x8x512xi32, #tpu.memory_space<hbm>>
    %dma_wait3A_205 = tpu.memref_squeeze %dma_wait3A_204 : memref<1x8x512xi32, #tpu.memory_space<hbm>> -> memref<8x512xi32, #tpu.memory_space<hbm>>
    %dma_wait3A_206 = arith.constant 184 : i32
    %dma_wait3A_207 = tpu.memref_slice %arg3[%dma_wait3A_198, %dma_wait3A_206, %multiple_of3A] : memref<5x200x16384xi32, #tpu.memory_space<hbm>> -> memref<1x8x512xi32, #tpu.memory_space<hbm>>
    %dma_wait3A_208 = tpu.memref_squeeze %dma_wait3A_207 : memref<1x8x512xi32, #tpu.memory_space<hbm>> -> memref<8x512xi32, #tpu.memory_space<hbm>>
    %dma_wait3A_209 = arith.constant 0 : i32
    %dma_wait3A_210 = arith.constant 0 : i32
    %dma_wait3A_211 = tpu.memref_slice %arg7[%dma_wait3A_197, %dma_wait3A_209, %dma_wait3A_210] : memref<5x8x512xi32, #tpu.memory_space<vmem>> -> memref<1x8x512xi32, #tpu.memory_space<vmem>>
    %dma_wait3A_212 = tpu.memref_squeeze %dma_wait3A_211 : memref<1x8x512xi32, #tpu.memory_space<vmem>> -> memref<8x512xi32, #tpu.memory_space<vmem>>
    tpu.wait_dma2 semaphore(%arg11 : memref<!tpu.dma_semaphore, #tpu.memory_space<semaphore_mem>>) src(%dma_wait3A_212 : memref<8x512xi32, #tpu.memory_space<vmem>>) dst(%dma_wait3A_208 : memref<8x512xi32, #tpu.memory_space<hbm>>)
    %dma_wait3A_213 = arith.constant 1 : i32
    %dma_wait3A_214 = arith.constant 1 : i32
    %dma_wait3A_215 = arith.constant 0 : i32
    %dma_wait3A_216 = arith.constant 0 : i32
    %dma_wait3A_217 = tpu.memref_slice %arg7[%dma_wait3A_213, %dma_wait3A_215, %dma_wait3A_216] : memref<5x8x512xi32, #tpu.memory_space<vmem>> -> memref<1x8x512xi32, #tpu.memory_space<vmem>>
    %dma_wait3A_218 = tpu.memref_squeeze %dma_wait3A_217 : memref<1x8x512xi32, #tpu.memory_space<vmem>> -> memref<8x512xi32, #tpu.memory_space<vmem>>
    %dma_wait3A_219 = arith.constant 184 : i32
    %dma_wait3A_220 = tpu.memref_slice %arg3[%dma_wait3A_214, %dma_wait3A_219, %multiple_of3A] : memref<5x200x16384xi32, #tpu.memory_space<hbm>> -> memref<1x8x512xi32, #tpu.memory_space<hbm>>
    %dma_wait3A_221 = tpu.memref_squeeze %dma_wait3A_220 : memref<1x8x512xi32, #tpu.memory_space<hbm>> -> memref<8x512xi32, #tpu.memory_space<hbm>>
    %dma_wait3A_222 = arith.constant 184 : i32
    %dma_wait3A_223 = tpu.memref_slice %arg3[%dma_wait3A_214, %dma_wait3A_222, %multiple_of3A] : memref<5x200x16384xi32, #tpu.memory_space<hbm>> -> memref<1x8x512xi32, #tpu.memory_space<hbm>>
    %dma_wait3A_224 = tpu.memref_squeeze %dma_wait3A_223 : memref<1x8x512xi32, #tpu.memory_space<hbm>> -> memref<8x512xi32, #tpu.memory_space<hbm>>
    %dma_wait3A_225 = arith.constant 0 : i32
    %dma_wait3A_226 = arith.constant 0 : i32
    %dma_wait3A_227 = tpu.memref_slice %arg7[%dma_wait3A_213, %dma_wait3A_225, %dma_wait3A_226] : memref<5x8x512xi32, #tpu.memory_space<vmem>> -> memref<1x8x512xi32, #tpu.memory_space<vmem>>
    %dma_wait3A_228 = tpu.memref_squeeze %dma_wait3A_227 : memref<1x8x512xi32, #tpu.memory_space<vmem>> -> memref<8x512xi32, #tpu.memory_space<vmem>>
    tpu.wait_dma2 semaphore(%arg11 : memref<!tpu.dma_semaphore, #tpu.memory_space<semaphore_mem>>) src(%dma_wait3A_228 : memref<8x512xi32, #tpu.memory_space<vmem>>) dst(%dma_wait3A_224 : memref<8x512xi32, #tpu.memory_space<hbm>>)
    %dma_wait3A_229 = arith.constant 2 : i32
    %dma_wait3A_230 = arith.constant 2 : i32
    %dma_wait3A_231 = arith.constant 0 : i32
    %dma_wait3A_232 = arith.constant 0 : i32
    %dma_wait3A_233 = tpu.memref_slice %arg7[%dma_wait3A_229, %dma_wait3A_231, %dma_wait3A_232] : memref<5x8x512xi32, #tpu.memory_space<vmem>> -> memref<1x8x512xi32, #tpu.memory_space<vmem>>
    %dma_wait3A_234 = tpu.memref_squeeze %dma_wait3A_233 : memref<1x8x512xi32, #tpu.memory_space<vmem>> -> memref<8x512xi32, #tpu.memory_space<vmem>>
    %dma_wait3A_235 = arith.constant 184 : i32
    %dma_wait3A_236 = tpu.memref_slice %arg3[%dma_wait3A_230, %dma_wait3A_235, %multiple_of3A] : memref<5x200x16384xi32, #tpu.memory_space<hbm>> -> memref<1x8x512xi32, #tpu.memory_space<hbm>>
    %dma_wait3A_237 = tpu.memref_squeeze %dma_wait3A_236 : memref<1x8x512xi32, #tpu.memory_space<hbm>> -> memref<8x512xi32, #tpu.memory_space<hbm>>
    %dma_wait3A_238 = arith.constant 184 : i32
    %dma_wait3A_239 = tpu.memref_slice %arg3[%dma_wait3A_230, %dma_wait3A_238, %multiple_of3A] : memref<5x200x16384xi32, #tpu.memory_space<hbm>> -> memref<1x8x512xi32, #tpu.memory_space<hbm>>
    %dma_wait3A_240 = tpu.memref_squeeze %dma_wait3A_239 : memref<1x8x512xi32, #tpu.memory_space<hbm>> -> memref<8x512xi32, #tpu.memory_space<hbm>>
    %dma_wait3A_241 = arith.constant 0 : i32
    %dma_wait3A_242 = arith.constant 0 : i32
    %dma_wait3A_243 = tpu.memref_slice %arg7[%dma_wait3A_229, %dma_wait3A_241, %dma_wait3A_242] : memref<5x8x512xi32, #tpu.memory_space<vmem>> -> memref<1x8x512xi32, #tpu.memory_space<vmem>>
    %dma_wait3A_244 = tpu.memref_squeeze %dma_wait3A_243 : memref<1x8x512xi32, #tpu.memory_space<vmem>> -> memref<8x512xi32, #tpu.memory_space<vmem>>
    tpu.wait_dma2 semaphore(%arg11 : memref<!tpu.dma_semaphore, #tpu.memory_space<semaphore_mem>>) src(%dma_wait3A_244 : memref<8x512xi32, #tpu.memory_space<vmem>>) dst(%dma_wait3A_240 : memref<8x512xi32, #tpu.memory_space<hbm>>)
    %dma_wait3A_245 = arith.constant 3 : i32
    %dma_wait3A_246 = arith.constant 3 : i32
    %dma_wait3A_247 = arith.constant 0 : i32
    %dma_wait3A_248 = arith.constant 0 : i32
    %dma_wait3A_249 = tpu.memref_slice %arg7[%dma_wait3A_245, %dma_wait3A_247, %dma_wait3A_248] : memref<5x8x512xi32, #tpu.memory_space<vmem>> -> memref<1x8x512xi32, #tpu.memory_space<vmem>>
    %dma_wait3A_250 = tpu.memref_squeeze %dma_wait3A_249 : memref<1x8x512xi32, #tpu.memory_space<vmem>> -> memref<8x512xi32, #tpu.memory_space<vmem>>
    %dma_wait3A_251 = arith.constant 184 : i32
    %dma_wait3A_252 = tpu.memref_slice %arg3[%dma_wait3A_246, %dma_wait3A_251, %multiple_of3A] : memref<5x200x16384xi32, #tpu.memory_space<hbm>> -> memref<1x8x512xi32, #tpu.memory_space<hbm>>
    %dma_wait3A_253 = tpu.memref_squeeze %dma_wait3A_252 : memref<1x8x512xi32, #tpu.memory_space<hbm>> -> memref<8x512xi32, #tpu.memory_space<hbm>>
    %dma_wait3A_254 = arith.constant 184 : i32
    %dma_wait3A_255 = tpu.memref_slice %arg3[%dma_wait3A_246, %dma_wait3A_254, %multiple_of3A] : memref<5x200x16384xi32, #tpu.memory_space<hbm>> -> memref<1x8x512xi32, #tpu.memory_space<hbm>>
    %dma_wait3A_256 = tpu.memref_squeeze %dma_wait3A_255 : memref<1x8x512xi32, #tpu.memory_space<hbm>> -> memref<8x512xi32, #tpu.memory_space<hbm>>
    %dma_wait3A_257 = arith.constant 0 : i32
    %dma_wait3A_258 = arith.constant 0 : i32
    %dma_wait3A_259 = tpu.memref_slice %arg7[%dma_wait3A_245, %dma_wait3A_257, %dma_wait3A_258] : memref<5x8x512xi32, #tpu.memory_space<vmem>> -> memref<1x8x512xi32, #tpu.memory_space<vmem>>
    %dma_wait3A_260 = tpu.memref_squeeze %dma_wait3A_259 : memref<1x8x512xi32, #tpu.memory_space<vmem>> -> memref<8x512xi32, #tpu.memory_space<vmem>>
    tpu.wait_dma2 semaphore(%arg11 : memref<!tpu.dma_semaphore, #tpu.memory_space<semaphore_mem>>) src(%dma_wait3A_260 : memref<8x512xi32, #tpu.memory_space<vmem>>) dst(%dma_wait3A_256 : memref<8x512xi32, #tpu.memory_space<hbm>>)
    %dma_wait3A_261 = arith.constant 4 : i32
    %dma_wait3A_262 = arith.constant 4 : i32
    %dma_wait3A_263 = arith.constant 0 : i32
    %dma_wait3A_264 = arith.constant 0 : i32
    %dma_wait3A_265 = tpu.memref_slice %arg7[%dma_wait3A_261, %dma_wait3A_263, %dma_wait3A_264] : memref<5x8x512xi32, #tpu.memory_space<vmem>> -> memref<1x8x512xi32, #tpu.memory_space<vmem>>
    %dma_wait3A_266 = tpu.memref_squeeze %dma_wait3A_265 : memref<1x8x512xi32, #tpu.memory_space<vmem>> -> memref<8x512xi32, #tpu.memory_space<vmem>>
    %dma_wait3A_267 = arith.constant 184 : i32
    %dma_wait3A_268 = tpu.memref_slice %arg3[%dma_wait3A_262, %dma_wait3A_267, %multiple_of3A] : memref<5x200x16384xi32, #tpu.memory_space<hbm>> -> memref<1x8x512xi32, #tpu.memory_space<hbm>>
    %dma_wait3A_269 = tpu.memref_squeeze %dma_wait3A_268 : memref<1x8x512xi32, #tpu.memory_space<hbm>> -> memref<8x512xi32, #tpu.memory_space<hbm>>
    %dma_wait3A_270 = arith.constant 184 : i32
    %dma_wait3A_271 = tpu.memref_slice %arg3[%dma_wait3A_262, %dma_wait3A_270, %multiple_of3A] : memref<5x200x16384xi32, #tpu.memory_space<hbm>> -> memref<1x8x512xi32, #tpu.memory_space<hbm>>
    %dma_wait3A_272 = tpu.memref_squeeze %dma_wait3A_271 : memref<1x8x512xi32, #tpu.memory_space<hbm>> -> memref<8x512xi32, #tpu.memory_space<hbm>>
    %dma_wait3A_273 = arith.constant 0 : i32
    %dma_wait3A_274 = arith.constant 0 : i32
    %dma_wait3A_275 = tpu.memref_slice %arg7[%dma_wait3A_261, %dma_wait3A_273, %dma_wait3A_274] : memref<5x8x512xi32, #tpu.memory_space<vmem>> -> memref<1x8x512xi32, #tpu.memory_space<vmem>>
    %dma_wait3A_276 = tpu.memref_squeeze %dma_wait3A_275 : memref<1x8x512xi32, #tpu.memory_space<vmem>> -> memref<8x512xi32, #tpu.memory_space<vmem>>
    tpu.wait_dma2 semaphore(%arg11 : memref<!tpu.dma_semaphore, #tpu.memory_space<semaphore_mem>>) src(%dma_wait3A_276 : memref<8x512xi32, #tpu.memory_space<vmem>>) dst(%dma_wait3A_272 : memref<8x512xi32, #tpu.memory_space<hbm>>)
    %dma_wait3A_277 = arith.constant 0 : i32
    %dma_wait3A_278 = tpu.memref_slice %arg2[%dma_wait3A_277, %multiple_of3A] : memref<200x16384xi32, #tpu.memory_space<hbm>> -> memref<8x512xi32, #tpu.memory_space<hbm>>
    %dma_wait3A_279 = arith.constant 0 : i32
    %dma_wait3A_280 = tpu.memref_slice %arg2[%dma_wait3A_279, %multiple_of3A] : memref<200x16384xi32, #tpu.memory_space<hbm>> -> memref<8x512xi32, #tpu.memory_space<hbm>>
    tpu.wait_dma2 semaphore(%arg9 : memref<!tpu.dma_semaphore, #tpu.memory_space<semaphore_mem>>) src(%dma_wait3A_280 : memref<8x512xi32, #tpu.memory_space<hbm>>) dst(%arg5 : memref<8x512xi32, #tpu.memory_space<vmem>>)
    %dma_wait3A_281 = arith.constant 0 : i32
    %dma_wait3A_282 = arith.constant 0 : i32
    %dma_wait3A_283 = arith.constant 0 : i32
    %dma_wait3A_284 = arith.constant 0 : i32
    %dma_wait3A_285 = tpu.memref_slice %arg6[%dma_wait3A_281, %dma_wait3A_283, %dma_wait3A_284] : memref<5x8x512xi32, #tpu.memory_space<vmem>> -> memref<1x8x512xi32, #tpu.memory_space<vmem>>
    %dma_wait3A_286 = tpu.memref_squeeze %dma_wait3A_285 : memref<1x8x512xi32, #tpu.memory_space<vmem>> -> memref<8x512xi32, #tpu.memory_space<vmem>>
    %dma_wait3A_287 = arith.constant 192 : i32
    %dma_wait3A_288 = tpu.memref_slice %arg3[%dma_wait3A_282, %dma_wait3A_287, %multiple_of3A] : memref<5x200x16384xi32, #tpu.memory_space<hbm>> -> memref<1x8x512xi32, #tpu.memory_space<hbm>>
    %dma_wait3A_289 = tpu.memref_squeeze %dma_wait3A_288 : memref<1x8x512xi32, #tpu.memory_space<hbm>> -> memref<8x512xi32, #tpu.memory_space<hbm>>
    %dma_wait3A_290 = arith.constant 192 : i32
    %dma_wait3A_291 = tpu.memref_slice %arg3[%dma_wait3A_282, %dma_wait3A_290, %multiple_of3A] : memref<5x200x16384xi32, #tpu.memory_space<hbm>> -> memref<1x8x512xi32, #tpu.memory_space<hbm>>
    %dma_wait3A_292 = tpu.memref_squeeze %dma_wait3A_291 : memref<1x8x512xi32, #tpu.memory_space<hbm>> -> memref<8x512xi32, #tpu.memory_space<hbm>>
    %dma_wait3A_293 = arith.constant 0 : i32
    %dma_wait3A_294 = arith.constant 0 : i32
    %dma_wait3A_295 = tpu.memref_slice %arg6[%dma_wait3A_281, %dma_wait3A_293, %dma_wait3A_294] : memref<5x8x512xi32, #tpu.memory_space<vmem>> -> memref<1x8x512xi32, #tpu.memory_space<vmem>>
    %dma_wait3A_296 = tpu.memref_squeeze %dma_wait3A_295 : memref<1x8x512xi32, #tpu.memory_space<vmem>> -> memref<8x512xi32, #tpu.memory_space<vmem>>
    tpu.wait_dma2 semaphore(%arg10 : memref<!tpu.dma_semaphore, #tpu.memory_space<semaphore_mem>>) src(%dma_wait3A_296 : memref<8x512xi32, #tpu.memory_space<vmem>>) dst(%dma_wait3A_292 : memref<8x512xi32, #tpu.memory_space<hbm>>)
    %dma_wait3A_297 = arith.constant 1 : i32
    %dma_wait3A_298 = arith.constant 1 : i32
    %dma_wait3A_299 = arith.constant 0 : i32
    %dma_wait3A_300 = arith.constant 0 : i32
    %dma_wait3A_301 = tpu.memref_slice %arg6[%dma_wait3A_297, %dma_wait3A_299, %dma_wait3A_300] : memref<5x8x512xi32, #tpu.memory_space<vmem>> -> memref<1x8x512xi32, #tpu.memory_space<vmem>>
    %dma_wait3A_302 = tpu.memref_squeeze %dma_wait3A_301 : memref<1x8x512xi32, #tpu.memory_space<vmem>> -> memref<8x512xi32, #tpu.memory_space<vmem>>
    %dma_wait3A_303 = arith.constant 192 : i32
    %dma_wait3A_304 = tpu.memref_slice %arg3[%dma_wait3A_298, %dma_wait3A_303, %multiple_of3A] : memref<5x200x16384xi32, #tpu.memory_space<hbm>> -> memref<1x8x512xi32, #tpu.memory_space<hbm>>
    %dma_wait3A_305 = tpu.memref_squeeze %dma_wait3A_304 : memref<1x8x512xi32, #tpu.memory_space<hbm>> -> memref<8x512xi32, #tpu.memory_space<hbm>>
    %dma_wait3A_306 = arith.constant 192 : i32
    %dma_wait3A_307 = tpu.memref_slice %arg3[%dma_wait3A_298, %dma_wait3A_306, %multiple_of3A] : memref<5x200x16384xi32, #tpu.memory_space<hbm>> -> memref<1x8x512xi32, #tpu.memory_space<hbm>>
    %dma_wait3A_308 = tpu.memref_squeeze %dma_wait3A_307 : memref<1x8x512xi32, #tpu.memory_space<hbm>> -> memref<8x512xi32, #tpu.memory_space<hbm>>
    %dma_wait3A_309 = arith.constant 0 : i32
    %dma_wait3A_310 = arith.constant 0 : i32
    %dma_wait3A_311 = tpu.memref_slice %arg6[%dma_wait3A_297, %dma_wait3A_309, %dma_wait3A_310] : memref<5x8x512xi32, #tpu.memory_space<vmem>> -> memref<1x8x512xi32, #tpu.memory_space<vmem>>
    %dma_wait3A_312 = tpu.memref_squeeze %dma_wait3A_311 : memref<1x8x512xi32, #tpu.memory_space<vmem>> -> memref<8x512xi32, #tpu.memory_space<vmem>>
    tpu.wait_dma2 semaphore(%arg10 : memref<!tpu.dma_semaphore, #tpu.memory_space<semaphore_mem>>) src(%dma_wait3A_312 : memref<8x512xi32, #tpu.memory_space<vmem>>) dst(%dma_wait3A_308 : memref<8x512xi32, #tpu.memory_space<hbm>>)
    %dma_wait3A_313 = arith.constant 2 : i32
    %dma_wait3A_314 = arith.constant 2 : i32
    %dma_wait3A_315 = arith.constant 0 : i32
    %dma_wait3A_316 = arith.constant 0 : i32
    %dma_wait3A_317 = tpu.memref_slice %arg6[%dma_wait3A_313, %dma_wait3A_315, %dma_wait3A_316] : memref<5x8x512xi32, #tpu.memory_space<vmem>> -> memref<1x8x512xi32, #tpu.memory_space<vmem>>
    %dma_wait3A_318 = tpu.memref_squeeze %dma_wait3A_317 : memref<1x8x512xi32, #tpu.memory_space<vmem>> -> memref<8x512xi32, #tpu.memory_space<vmem>>
    %dma_wait3A_319 = arith.constant 192 : i32
    %dma_wait3A_320 = tpu.memref_slice %arg3[%dma_wait3A_314, %dma_wait3A_319, %multiple_of3A] : memref<5x200x16384xi32, #tpu.memory_space<hbm>> -> memref<1x8x512xi32, #tpu.memory_space<hbm>>
    %dma_wait3A_321 = tpu.memref_squeeze %dma_wait3A_320 : memref<1x8x512xi32, #tpu.memory_space<hbm>> -> memref<8x512xi32, #tpu.memory_space<hbm>>
    %dma_wait3A_322 = arith.constant 192 : i32
    %dma_wait3A_323 = tpu.memref_slice %arg3[%dma_wait3A_314, %dma_wait3A_322, %multiple_of3A] : memref<5x200x16384xi32, #tpu.memory_space<hbm>> -> memref<1x8x512xi32, #tpu.memory_space<hbm>>
    %dma_wait3A_324 = tpu.memref_squeeze %dma_wait3A_323 : memref<1x8x512xi32, #tpu.memory_space<hbm>> -> memref<8x512xi32, #tpu.memory_space<hbm>>
    %dma_wait3A_325 = arith.constant 0 : i32
    %dma_wait3A_326 = arith.constant 0 : i32
    %dma_wait3A_327 = tpu.memref_slice %arg6[%dma_wait3A_313, %dma_wait3A_325, %dma_wait3A_326] : memref<5x8x512xi32, #tpu.memory_space<vmem>> -> memref<1x8x512xi32, #tpu.memory_space<vmem>>
    %dma_wait3A_328 = tpu.memref_squeeze %dma_wait3A_327 : memref<1x8x512xi32, #tpu.memory_space<vmem>> -> memref<8x512xi32, #tpu.memory_space<vmem>>
    tpu.wait_dma2 semaphore(%arg10 : memref<!tpu.dma_semaphore, #tpu.memory_space<semaphore_mem>>) src(%dma_wait3A_328 : memref<8x512xi32, #tpu.memory_space<vmem>>) dst(%dma_wait3A_324 : memref<8x512xi32, #tpu.memory_space<hbm>>)
    %dma_wait3A_329 = arith.constant 3 : i32
    %dma_wait3A_330 = arith.constant 3 : i32
    %dma_wait3A_331 = arith.constant 0 : i32
    %dma_wait3A_332 = arith.constant 0 : i32
    %dma_wait3A_333 = tpu.memref_slice %arg6[%dma_wait3A_329, %dma_wait3A_331, %dma_wait3A_332] : memref<5x8x512xi32, #tpu.memory_space<vmem>> -> memref<1x8x512xi32, #tpu.memory_space<vmem>>
    %dma_wait3A_334 = tpu.memref_squeeze %dma_wait3A_333 : memref<1x8x512xi32, #tpu.memory_space<vmem>> -> memref<8x512xi32, #tpu.memory_space<vmem>>
    %dma_wait3A_335 = arith.constant 192 : i32
    %dma_wait3A_336 = tpu.memref_slice %arg3[%dma_wait3A_330, %dma_wait3A_335, %multiple_of3A] : memref<5x200x16384xi32, #tpu.memory_space<hbm>> -> memref<1x8x512xi32, #tpu.memory_space<hbm>>
    %dma_wait3A_337 = tpu.memref_squeeze %dma_wait3A_336 : memref<1x8x512xi32, #tpu.memory_space<hbm>> -> memref<8x512xi32, #tpu.memory_space<hbm>>
    %dma_wait3A_338 = arith.constant 192 : i32
    %dma_wait3A_339 = tpu.memref_slice %arg3[%dma_wait3A_330, %dma_wait3A_338, %multiple_of3A] : memref<5x200x16384xi32, #tpu.memory_space<hbm>> -> memref<1x8x512xi32, #tpu.memory_space<hbm>>
    %dma_wait3A_340 = tpu.memref_squeeze %dma_wait3A_339 : memref<1x8x512xi32, #tpu.memory_space<hbm>> -> memref<8x512xi32, #tpu.memory_space<hbm>>
    %dma_wait3A_341 = arith.constant 0 : i32
    %dma_wait3A_342 = arith.constant 0 : i32
    %dma_wait3A_343 = tpu.memref_slice %arg6[%dma_wait3A_329, %dma_wait3A_341, %dma_wait3A_342] : memref<5x8x512xi32, #tpu.memory_space<vmem>> -> memref<1x8x512xi32, #tpu.memory_space<vmem>>
    %dma_wait3A_344 = tpu.memref_squeeze %dma_wait3A_343 : memref<1x8x512xi32, #tpu.memory_space<vmem>> -> memref<8x512xi32, #tpu.memory_space<vmem>>
    tpu.wait_dma2 semaphore(%arg10 : memref<!tpu.dma_semaphore, #tpu.memory_space<semaphore_mem>>) src(%dma_wait3A_344 : memref<8x512xi32, #tpu.memory_space<vmem>>) dst(%dma_wait3A_340 : memref<8x512xi32, #tpu.memory_space<hbm>>)
    %dma_wait3A_345 = arith.constant 4 : i32
    %dma_wait3A_346 = arith.constant 4 : i32
    %dma_wait3A_347 = arith.constant 0 : i32
    %dma_wait3A_348 = arith.constant 0 : i32
    %dma_wait3A_349 = tpu.memref_slice %arg6[%dma_wait3A_345, %dma_wait3A_347, %dma_wait3A_348] : memref<5x8x512xi32, #tpu.memory_space<vmem>> -> memref<1x8x512xi32, #tpu.memory_space<vmem>>
    %dma_wait3A_350 = tpu.memref_squeeze %dma_wait3A_349 : memref<1x8x512xi32, #tpu.memory_space<vmem>> -> memref<8x512xi32, #tpu.memory_space<vmem>>
    %dma_wait3A_351 = arith.constant 192 : i32
    %dma_wait3A_352 = tpu.memref_slice %arg3[%dma_wait3A_346, %dma_wait3A_351, %multiple_of3A] : memref<5x200x16384xi32, #tpu.memory_space<hbm>> -> memref<1x8x512xi32, #tpu.memory_space<hbm>>
    %dma_wait3A_353 = tpu.memref_squeeze %dma_wait3A_352 : memref<1x8x512xi32, #tpu.memory_space<hbm>> -> memref<8x512xi32, #tpu.memory_space<hbm>>
    %dma_wait3A_354 = arith.constant 192 : i32
    %dma_wait3A_355 = tpu.memref_slice %arg3[%dma_wait3A_346, %dma_wait3A_354, %multiple_of3A] : memref<5x200x16384xi32, #tpu.memory_space<hbm>> -> memref<1x8x512xi32, #tpu.memory_space<hbm>>
    %dma_wait3A_356 = tpu.memref_squeeze %dma_wait3A_355 : memref<1x8x512xi32, #tpu.memory_space<hbm>> -> memref<8x512xi32, #tpu.memory_space<hbm>>
    %dma_wait3A_357 = arith.constant 0 : i32
    %dma_wait3A_358 = arith.constant 0 : i32
    %dma_wait3A_359 = tpu.memref_slice %arg6[%dma_wait3A_345, %dma_wait3A_357, %dma_wait3A_358] : memref<5x8x512xi32, #tpu.memory_space<vmem>> -> memref<1x8x512xi32, #tpu.memory_space<vmem>>
    %dma_wait3A_360 = tpu.memref_squeeze %dma_wait3A_359 : memref<1x8x512xi32, #tpu.memory_space<vmem>> -> memref<8x512xi32, #tpu.memory_space<vmem>>
    tpu.wait_dma2 semaphore(%arg10 : memref<!tpu.dma_semaphore, #tpu.memory_space<semaphore_mem>>) src(%dma_wait3A_360 : memref<8x512xi32, #tpu.memory_space<vmem>>) dst(%dma_wait3A_356 : memref<8x512xi32, #tpu.memory_space<hbm>>)
    return
  }
}

</mosaic_0001>

<sc_bundles>
// kernel: kernel.3.cloned.1.call-start
scs
__scs_entry_jumppad:
0x0: {  	(pc) =	sbr.rel $0x88, $3  }
0x1: {  	(tag) =	ssettag $0x0;
	lr =	simm.s32 $0x1  }
0x2: {  	[smem:$0x3FA0] =	sst lr;
	_ =	strace $0xD0000000  }
0x3: {  	_ = 	snop  }
0x4: {  	_ = 	snop  }
0x5: {  	_ = 	snop  }
0x6: {  	_ = 	snop  }
0x7: {  	_ = 	snop  }
__scs_overlays_trampoline_lowered:
0x8: {  	[smem:$0x3FAF] =	sst s0  }
0x9: {  	[smem:$0x3FB0] =	sst s1  }
0xa: {  	[smem:$0x3FB1] =	sst s2  }
0xb: {  	[smem:$0x3FB2] =	sst s3  }
0xc: {  	[smem:$0x3FB3] =	sst s4  }
0xd: {  	[smem:$0x3FB4] =	sst s5  }
0xe: {  	[smem:$0x3FB5] =	sst s6  }
0xf: {  	[smem:$0x3FB6] =	sst s7  }
0x10: {  	[smem:$0x3FB7] =	sst s8  }
0x11: {  	[smem:$0x3FB8] =	sst s9;
	s0 =	simm.s32 @!p0 $0x0  }
0x12: {  	s1 =	sld [smem:$0x3F9E];
	s0 =	simm.s32 @p0 $0x1  }
0x13: {  	[smem:$0x3FB9] =	sst s0;
	s0 =	simm.s32 @!p1 $0x0  }
0x14: {  	s2 =	sld [smem:$0x3F9D];
	s0 =	simm.s32 @p1 $0x1  }
0x15: {  	[smem:$0x3FBA] =	sst s0;
	s0 =	simm.s32 @!p2 $0x0  }
0x16: {  	s3 =	sld [smem:$0x3FDB];
	s0 =	simm.s32 @p2 $0x1  }
0x17: {  	s4 =	simm.s32 $0x1BF5;
	[smem:$0x3FBC] =	sst s0  }
0x18: {  	s0 =	sld [smem:$0x3F9F];
	_ =	swait.ge [sflag:s4], $0x0  }
0x19: {  	s7 =	sld [smem:$0x3FA0]  }
0x1a: {  	s8 =	sadd.s32 $0xFFFFE003, lr  }
0x1b: {  	s9 =	sadd.s32 $0xFFFFFEF7, lr;
	s5 =	simm.s32 $0xFFFFFFFF;
	p2 =	slt.u32 s8, $0xFFFFF086  }
0x1c: {  	p1 =	slt.u32 s9, $0xF7A;
	s5 =	simm.s32 @!p2 $0x0  }
0x1d: {  	s5 =	simm.s32 @p1 $0x1;
	p0 =	seq.s32 s7, s2  }
0x1e: {  	s7 =	smul.u32 @!p0 $0xF7A, s2;
	p2 =	seq.s32 @!p0 s5, $0x0  }
0x1f: {  	s9 =	smul.u32 $0xF7A, s1;
	s8 =	simm.s32 @!p0 $0x1BF5;
	p2 =	por !p2, p0  }
0x20: {  	[sflag:s8] =	ssyncset.s32 @!p0 $0xFFFFF086;
	s6 =	sadd.s32 @!p0 s3, s7;
	s7 =	simm.s32 @!p0 $0x108  }
0x21: {  	s3 =	sadd.s32 s3, s9;
	s6 =	sadd.s32 @!p0 $0x88, s6;
	s7 =	simm.s32 @p2 $0x1082  }
0x22: {  	[simem:s7], [sflag:s8] =	dma.local @!p0 [hbm:s6], $0xF7A  }
0x23: {  	s9 =	sor.u32 $0xD0000000, s2;
	s6 =	simm.s32 $0x108;
	_ =	swait.ge @!p0 [sflag:s8], $0x0  }
0x24: {  	s3 =	sadd.s32 $0x88, s3;
	s6 =	simm.s32 @!p1 $0x1082;
	[sflag:s4] =	ssyncset.s32 $0xFFFFF086  }
0x25: {  	[simem:s6], [sflag:s4] =	dma.local [hbm:s3], $0xF7A  }
0x26: {  	[smem:$0x3FA0] =	sst s1;
	(tag) =	ssettag s2;
	_ =	strace s9  }
0x27: {  	s1 =	sld [smem:$0x3FB0]  }
0x28: {  	s2 =	sld [smem:$0x3FB1]  }
0x29: {  	s4 =	sld [smem:$0x3FB3]  }
0x2a: {  	p0 =	seq.s32 s5, $0x0;
	s5 =	sld [smem:$0x3FB4]  }
0x2b: {  	s6 =	sld [smem:$0x3FB5]  }
0x2c: {  	s7 =	sld [smem:$0x3FB6]  }
0x2d: {  	s3 =	simm.s32 $0x108;
	s8 =	sld [smem:$0x3FB7]  }
0x2e: {  	s3 =	simm.s32 @!p0 $0x1082;
	s9 =	sld [smem:$0x3FB8]  }
0x2f: {  	lr =	sadd.s32 s0, s3;
	s0 =	sld [smem:$0x3FAF]  }
0x30: {  	s3 =	sld [smem:$0x3FB2]  }
0x31: {  	[smem:$0x3FBB] =	sst s10  }
0x32: {  	s10 =	sld [smem:$0x3FB9];
	_ =	sdelay $0x3  }
0x33: {  	p0 =	seq.s32 s10, $0x1;
	s10 =	sld [smem:$0x3FBB];
	_ =	sdelay $0x3  }
0x34: {  	[smem:$0x3FBB] =	sst s10  }
0x35: {  	s10 =	sld [smem:$0x3FBA];
	_ =	sdelay $0x3  }
0x36: {  	p1 =	seq.s32 s10, $0x1;
	s10 =	sld [smem:$0x3FBB];
	_ =	sdelay $0x3  }
0x37: {  	[smem:$0x3FBB] =	sst s10  }
0x38: {  	s10 =	sld [smem:$0x3FBC]  }
0x39: {  	_ = 	snop;
	(pc) =	sbr.ind lr, $3  }
0x3a: {  	_ = 	snop  }
0x3b: {  	_ = 	snop  }
0x3c: {  	p2 =	seq.s32 s10, $0x1;
	s10 =	sld [smem:$0x3FBB]  }
0x3d: {  	_ =	shalt  }
0x3e: {  	_ =	shalt  }
0x3f: {  	_ =	shalt  }
0x40: {  	_ =	shalt  }
0x41: {  	_ =	shalt  }
0x42: {  	_ =	shalt  }
0x43: {  	_ =	shalt  }
0x44: {  	_ =	shalt  }
0x45: {  	_ =	shalt  }
0x46: {  	_ =	shalt  }
0x47: {  	_ =	shalt  }
0x48: {  	_ =	shalt  }
0x49: {  	_ =	shalt  }
0x4a: {  	_ =	shalt  }
0x4b: {  	_ =	shalt  }
0x4c: {  	_ =	shalt  }
0x4d: {  	_ =	shalt  }
0x4e: {  	_ =	shalt  }
0x4f: {  	_ =	shalt  }
0x50: {  	_ =	shalt  }
0x51: {  	_ =	shalt  }
0x52: {  	_ =	shalt  }
0x53: {  	_ =	shalt  }
0x54: {  	_ =	shalt  }
0x55: {  	_ =	shalt  }
0x56: {  	_ =	shalt  }
0x57: {  	_ =	shalt  }
0x58: {  	_ =	shalt  }
0x59: {  	_ =	shalt  }
0x5a: {  	_ =	shalt  }
0x5b: {  	_ =	shalt  }
0x5c: {  	_ =	shalt  }
0x5d: {  	_ =	shalt  }
0x5e: {  	_ =	shalt  }
0x5f: {  	_ =	shalt  }
0x60: {  	_ =	shalt  }
0x61: {  	_ =	shalt  }
0x62: {  	_ =	shalt  }
0x63: {  	_ =	shalt  }
0x64: {  	_ =	shalt  }
0x65: {  	_ =	shalt  }
0x66: {  	_ =	shalt  }
0x67: {  	_ =	shalt  }
0x68: {  	_ =	shalt  }
0x69: {  	_ =	shalt  }
0x6a: {  	_ =	shalt  }
0x6b: {  	_ =	shalt  }
0x6c: {  	_ =	shalt  }
0x6d: {  	_ =	shalt  }
0x6e: {  	_ =	shalt  }
0x6f: {  	_ =	shalt  }
0x70: {  	_ =	shalt  }
0x71: {  	_ =	shalt  }
0x72: {  	_ =	shalt  }
0x73: {  	_ =	shalt  }
0x74: {  	_ =	shalt  }
0x75: {  	_ =	shalt  }
0x76: {  	_ =	shalt  }
0x77: {  	_ =	shalt  }
0x78: {  	_ =	shalt  }
0x79: {  	_ =	shalt  }
0x7a: {  	_ =	shalt  }
0x7b: {  	_ =	shalt  }
0x7c: {  	_ =	shalt  }
0x7d: {  	_ =	shalt  }
0x7e: {  	_ =	shalt  }
0x7f: {  	_ =	shalt  }
0x80: {  	_ =	shalt  }
0x81: {  	_ =	shalt  }
0x82: {  	_ =	shalt  }
0x83: {  	_ =	shalt  }
0x84: {  	_ =	shalt  }
0x85: {  	_ =	shalt  }
0x86: {  	_ =	shalt  }
0x87: {  	_ =	shalt  }
.Lfunc_end0:
.L_simem_size_0:
called_computation_lowered:
.L_overlay_start_0:
0x88: {  	s2 =	sld [smem:$0x3FD9]  }
0x89: {  	s3 =	sld [smem:$0x3FFE];
	_ =	sdelay $0x1  }
0x8a: {  	s1 =	srdreg.scid  }
0x8b: {  	s0 =	sand.u32 $0x1, s1  }
0x8c: {  	s18 =	sshll.u32 s0, $0xA;
	s2 =	sadd.s32 s3, s2  }
0x8d: {  	s2 =	sadd.s32 s2, s18  }
0x8e: {  	[smem:$0x3FC7] =	sst s2  }
0x8f: {  	_ = 	snop  }
0x90: {  	s2 =	sld [smem:$0x3FC9]  }
0x91: {  	s19 =	sld [smem:$0x3FD0];
	(tm) =	ssettm $0x1  }
0x92: {  	s4 =	sld [smem:$0x3FFB];
	_ =	sdelay $0x3  }
0x93: {  	_ =	strace s4  }
0x94: {  	s4 =	sld [smem:$0x3FFC];
	_ =	sdelay $0x3  }
0x95: {  	_ =	strace s4  }
0x96: {  	s4 =	sld [smem:$0x3FFD];
	_ =	sdelay $0x3  }
0x97: {  	_ =	strace s4  }
0x98: {  	_ =	strace $0x8FFFFFFF  }
0x99: {  	s20 =	sld [smem:$0x3FDB];
	_ =	sdelay $0x1  }
0x9a: {  	s5 =	simm.s32 $_scs_section_size  }
0x9b: {  	s6 =	simm.s32 $_size__tile_overlayer_lowered;
	s7 =	simm.s32 $_tile_overlayer_lowered  }
0x9c: {  	s23 =	simm.s32 $0x1BFF;
	s22 =	sshll.u32 s7, $0x1;
	s4 =	sadd.s32 s5, s20  }
0x9d: {  	s8 =	simm.s32 $0x0;
	s21 =	sshll.u32 s6, $0x1;
	s6 =	sadd.s32 s22, s4  }
0x9e: {  	[timem:s8], [sflag:s23] =	dma.local [hbm:s6], s21  }
0x9f: {  	_ =	swait.ge [sflag:s23], s21  }
0xa0: {  	s5 =	ssub.s32 $0x0, s21;
	[sflag:s23] =	ssyncset.done $0x0  }
0xa1: {  	[sflag:s23] =	ssyncadd.s32 s5;
	_ =	sdelay $0x1  }
0xa2: {  	s24 =	simm.s32 $0x1B8B  }
0xa3: {  	_ =	swait.ge [sflag:s24], $0x1  }
0xa4: {  	[sflag:s24] =	ssyncset.done $0x0  }
0xa5: {  	s25 =	simm.s32 $0x1B8E;
	[sflag:s24] =	ssyncadd.s32 $0xFFFFFFFF  }
0xa6: {  	s26 =	simm.s32 $execute0_lowered;
	[smem:$0x3FD2] =	sst s25  }
0xa7: {  	s5 =	sshll.u32 s26, $0x1;
	_ =	strace $0x80000046;
	[dreg:$0x1] =	wrdreg $0xFFFFFFFF  }
0xa8: {  	s28 =	simm.s32 $_size_execute0_lowered;
	s4 =	sadd.s32 s4, s5;
	[dreg:$0x0] =	wrdreg $0x0  }
0xa9: {  	s5 =	sshll.u32 s28, $0x1;
	[dreg:$0x2] =	wrdreg s4  }
0xaa: {  	[dreg:$0x3] =	wrdreg s5  }
0xab: {  	[dreg:$0x4] =	wrdreg $0xC0  }
0xac: {  	_ =	task [dreg:s8], $0x5FFFF  }
0xad: {  	[dreg:$0x1] =	wrdreg $0xFFFFFFFF  }
0xae: {  	[dreg:$0x0] =	wrdreg $0x60  }
0xaf: {  	[dreg:$0x2] =	wrdreg s2  }
0xb0: {  	[dreg:$0x3] =	wrdreg s19  }
0xb1: {  	[dreg:$0x4] =	wrdreg $0x9  }
0xb2: {  	_ =	task.clear_ibuf [dreg:s8], $0x5FFFF;
	_ =	strace $0x90000046  }
0xb3: {  	s29 =	simm.s32 $0x9;
	_ =	strace $0x80000048  }
0xb4: {  	_ =	swait.ge [sflag:s29], $0x1  }
0xb5: {  	[sflag:s29] =	ssyncadd.s32 $0xFFFFFFFF  }
0xb6: {  	_ =	strace $0x90000048  }
0xb7: {  	_ =	sfence  }
0xb8: {  	s30 =	sld [smem:$0x0];
	_ =	sdelay $0x2  }
0xb9: {  	s31 =	sshll.u32 s1, $0xD;
	s1 =	sshrl.u32 s1, $0x2  }
0xba: {  	s3 =	sand.u32 $0x4000, s31;
	s1 =	sadd.s32 s1, s30  }
0xbb: {  	s0 =	sor.u32 s3, s0;
	s1 =	sshll.u32 s1, $0x11  }
0xbc: {  	s0 =	sor.u32 s1, s0  }
0xbd: {  	s0 =	sadd.s32 $0x8F2B, s0  }
0xbe: {  	[sflag:s0] =	ssyncadd.remote.s32 $0x1  }
0xbf: {  	_ =	sfence.sel $0xFFFF  }
0xc0: {  	[dreg:$0x0] =	wrdreg $0xFFFFFFFF;
	(pc) =	sbr.abs _section_cstart, $3  }
0xc1: {  	[dreg:$0x1] =	wrdreg $0xFFFFFFFF  }
0xc2: {  	_ =	task.clear_ibuf [dreg:s8], $0x2FFFF;
	_ =	strace $0x9FFFFFFF  }
0xc3: {  	(tm) =	ssettm $0x7FFFFFFF  }
tec
execute0_lowered:
.L_overlay_start_1:
0x0: {  	(tag) =	ssettag $0x1  }
0x1: {  	s2 =	rddreg [dreg:$0x0]  }
0x2: {  	s6 =	rddreg [dreg:$0x1];
	s0 =	srdreg.scid  }
0x3: {  	s1 =	stileid.u32;
	s4 =	simm.s32 $0x0;
	s0 =	sand.u32 $0x1, s0  }
0x4: {  	s1 =	sshll.u32 s1, $0xD;
	[smem:$0x7FF] =	sst s4;
	s3 =	sshll.u32 s0, $0xC  }
0x5: {  	s26 =	sadd.s32 $0x4000, s6;
	s0 =	ssub.s32 $0x2, s0;
	s5 =	sor.u32 s3, s1  }
0x6: {  	_ =	strace $0x80000047;
	s24 =	sshrl.u32 s0, $0x1;
	s3 =	sshrl.u32 s5, $0x3  }
0x7: {  	[dreg:$0x5] =	wrdreg s26;
	s0 =	ssub.s32 s0, s24;
	s2 =	sadd.s32 s2, s3  }
0x8: {  	s0 =	smax.u32 s0, $0x1;
	[dreg:$0x3] =	wrdreg s2  }
0x9: {  	s25 =	sadd.s32 s3, s6;
	s2 =	sadd.s32 $0x4000, s2;
	[dreg:$0xb] =	wrdreg s0  }
0xa: {  	s28 =	sadd.s32 $0x60000, s25;
	[dreg:$0x4] =	wrdreg s2  }
0xb: {  	s29 =	sadd.s32 $0xC4000, s25;
	[dreg:$0x6] =	wrdreg s28  }
0xc: {  	s30 =	sadd.s32 $0x128000, s25;
	[dreg:$0x7] =	wrdreg s29  }
0xd: {  	s31 =	sadd.s32 $0x18C000, s25;
	[dreg:$0x8] =	wrdreg s30  }
0xe: {  	s1 =	sadd.s32 $0x1F0000, s25;
	[dreg:$0x9] =	wrdreg s31  }
0xf: {  	v0 =	vimm.s32 $0x0;
	[dreg:$0xa] =	wrdreg s1;
	s1 =	simm.s32 $0x0  }
.LBB2_1:
0x10: {  	[dreg:$0xc] =	wrdreg s1  }
0x11: {  	s0 =	rddreg [dreg:$0x3]  }
0x12: {  	[tilespmem:s4], [sflag:$0x1] =	stream.linear.gather [hbm4b:s0+s4], $0x1000, $0x38;
	[tilespmem:$0xC000] =	vst v63  }
0x13: {  	s30 =	rddreg [dreg:$0x4];
	s31 =	simm.s32 $0x1000;
	s0 =	simm.s32 $0x0  }
0x14: {  	[tilespmem:s31], [sflag:$0x2] =	stream.linear.gather [hbm4b:s30+s4], $0x1000, $0x38;
	[tilespmem:$0xC000] =	vst v63  }
.LBB2_2:
0x15: {  	s1 =	simm.s32 $0x1  }
0x16: {  	_ =	swait.ge [sflag:s1], $0x1000  }
0x17: {  	p0 =	seq.s32 s0, $0x0;
	[sflag:s1] =	ssyncset.done $0x0  }
0x18: {  	s3 =	simm.s32 @!p0 $0x3;
	[sflag:s1] =	ssyncadd.s32 $0xFFFFF000  }
0x19: {  	_ =	swait.ge @!p0 [sflag:s3], $0x1000  }
0x1a: {  	[sflag:s3] =	ssyncset.done @!p0 $0x0  }
0x1b: {  	[sflag:s3] =	ssyncadd.s32 @!p0 $0xFFFFF000  }
0x1c: {  	_ =	swait.ge @!p0 [sflag:s3], $0x1000  }
0x1d: {  	[sflag:s3] =	ssyncset.done @!p0 $0x0  }
0x1e: {  	[sflag:s3] =	ssyncadd.s32 @!p0 $0xFFFFF000  }
0x1f: {  	_ =	swait.ge @!p0 [sflag:s3], $0x1000  }
0x20: {  	[sflag:s3] =	ssyncset.done @!p0 $0x0  }
0x21: {  	[sflag:s3] =	ssyncadd.s32 @!p0 $0xFFFFF000  }
0x22: {  	_ =	swait.ge @!p0 [sflag:s3], $0x1000  }
0x23: {  	[sflag:s3] =	ssyncset.done @!p0 $0x0  }
0x24: {  	[sflag:s3] =	ssyncadd.s32 @!p0 $0xFFFFF000  }
0x25: {  	_ =	swait.ge @!p0 [sflag:s3], $0x1000  }
0x26: {  	s7 =	simm.s32 $0x0;
	[sflag:s3] =	ssyncset.done @!p0 $0x0  }
0x27: {  	s9 =	simm.s32 $0x0;
	s1 =	sshll.u32 s0, $0x1;
	[sflag:s3] =	ssyncadd.s32 @!p0 $0xFFFFF000  }
.LBB2_3:
0x28: {  	s10 =	sshll.u32 s9, $0x7;
	s3 =	sand.u32 $0xC00, s7  }
0x29: {  	s14 =	sand.u32 $0x60, s7;
	s23 =	sor.u32 s10, s3  }
0x2a: {  	s6 =	sor.u32 s14, s23  }
0x2b: {  	v1 =	vld [tilespmem:s6+$0x0];
	_ =	sdelay $0x4  }
0x2c: {  	s11 =	sadd.s32 $0x5000, s10;
	vm0 =	veq.s32 v1, $0x0  }
0x2d: {  	s13 =	sadd.s32 $0x3000, s10;
	s24 =	sadd.s32 s3, s11;
	vm13 =	veq.s32 v1, $0x3;
	v2 =	vsel vm0, $0x1, v0  }
0x2e: {  	s12 =	sadd.s32 $0x6000, s10;
	s26 =	sadd.s32 s3, s13;
	s25 =	sadd.s32 s14, s24;
	vm1 =	veq.s32 v1, $0x1;
	[tilespmem:s6+$0x2000] =	vst v2;
	v2 =	vsel vm13, $0x1, v0  }
0x2f: {  	s28 =	sadd.s32 s3, s12;
	s31 =	sadd.s32 s14, s26;
	vm14 =	veq.s32 v1, $0x4;
	vm15 =	veq.s32 v1, $0x2;
	v1 =	vsel vm1, $0x1, v0;
	s6 =	sadd.s32 $0x4000, s10;
	[tilespmem:s25+$0x0] =	vst v2  }
0x30: {  	s15 =	sor.u32 $0x10, s14;
	s29 =	sadd.s32 s14, s28;
	v2 =	vsel vm14, $0x1, v0;
	s3 =	sadd.s32 s3, s6;
	[tilespmem:s31+$0x0] =	vst v1  }
0x31: {  	s30 =	simm.s32 $0x0;
	s25 =	sadd.s32 s15, s26;
	[tilespmem:s29+$0x0] =	vst v2;
	s14 =	sadd.s32 s14, s3;
	v2 =	vsel vm15, $0x1, v0  }
0x32: {  	s26 =	sor.u32 s15, s23;
	s23 =	simm.s32 $0x0;
	s3 =	sadd.s32 s15, s3;
	[tilespmem:s14+$0x0] =	vst v2  }
0x33: {  	s29 =	sadd.s32 s15, s24;
	s24 =	simm.s32 $0x0;
	s14 =	sadd.s32 s15, s28;
	v1 =	vld [tilespmem:s26+$0x0]  }
.LBB2_4:
0x34: {  	_ =	sdelay $0x1  }
0x35: {  	s30 =	sadd.s32 $0x2, s30;
	s23 =	sadd.s32 $0x100, s23;
	s24 =	sadd.s32 $0x20, s24  }
0x36: {  	p1 =	slt.u32 s30, $0x1E  }
0x37: {  	vm0 =	veq.s32 v1, $0x0;
	vm1 =	veq.s32 v1, $0x1;
	vm2 =	veq.s32 v1, $0x2  }
0x38: {  	vm3 =	veq.s32 v1, $0x4;
	v2 =	vsel vm0, $0x1, v0;
	vm0 =	veq.s32 v1, $0x3  }
0x39: {  	s15 =	sand.u32 $0xC00, s23;
	v1 =	vsel vm1, $0x1, v0;
	[tilespmem:s26+$0x2000] =	vst v2  }
0x3a: {  	s28 =	sor.u32 s10, s15;
	s31 =	sadd.s32 s15, s11;
	s26 =	sand.u32 $0x60, s24;
	[tilespmem:s25+$0x0] =	vst v1;
	v1 =	vsel vm2, $0x1, v0  }
0x3b: {  	s18 =	sadd.s32 s15, s12;
	s17 =	sor.u32 s26, s28;
	s25 =	sadd.s32 s15, s13;
	[tilespmem:s3+$0x0] =	vst v1;
	v1 =	vsel vm0, $0x1, v0  }
0x3c: {  	s19 =	sadd.s32 s26, s25;
	s3 =	sadd.s32 s15, s6;
	s15 =	sadd.s32 s26, s18;
	[tilespmem:s29+$0x0] =	vst v1;
	v1 =	vsel vm3, $0x1, v0  }
0x3d: {  	s21 =	sadd.s32 s26, s31;
	s20 =	sadd.s32 s26, s3;
	s26 =	sor.u32 $0x10, s26;
	[tilespmem:s14+$0x0] =	vst v1  }
0x3e: {  	s25 =	sadd.s32 s26, s25;
	s3 =	sadd.s32 s26, s3;
	s29 =	sadd.s32 s26, s31;
	v1 =	vld [tilespmem:s17+$0x0]  }
0x3f: {  	s14 =	sadd.s32 s26, s18;
	_ =	sdelay $0x3  }
0x40: {  	vm0 =	veq.s32 v1, $0x0;
	vm1 =	veq.s32 v1, $0x1;
	vm2 =	veq.s32 v1, $0x2  }
0x41: {  	v2 =	vsel vm0, $0x1, v0;
	v3 =	vsel vm1, $0x1, v0;
	vm0 =	veq.s32 v1, $0x3  }
0x42: {  	[tilespmem:s17+$0x2000] =	vst v2;
	v2 =	vsel vm0, $0x1, v0;
	vm0 =	veq.s32 v1, $0x4  }
.Ltmp0:
0x43: {  	v1 =	vsel vm2, $0x1, v0;
	[tilespmem:s21+$0x0] =	vst v2;
	v2 =	vsel vm0, $0x1, v0;
	(pc) =	sbr.rel @p1 .LBB2_4-.Ltmp0, $4  }
0x44: {  	[tilespmem:s15+$0x0] =	vst v2  }
0x45: {  	[tilespmem:s19+$0x0] =	vst v3  }
0x46: {  	s26 =	sor.u32 s26, s28;
	[tilespmem:s20+$0x0] =	vst v1  }
0x47: {  	v1 =	vld [tilespmem:s26+$0x0]  }
0x48: {  	_ =	sdelay $0x3  }
0x49: {  	s9 =	sadd.s32 $0x1, s9;
	vm0 =	veq.s32 v1, $0x0  }
0x4a: {  	p1 =	sne.s32 s9, $0x8;
	vm1 =	veq.s32 v1, $0x1;
	v2 =	vsel vm0, $0x1, v0  }
.Ltmp1:
0x4b: {  	vm14 =	veq.s32 v1, $0x3;
	[tilespmem:s26+$0x2000] =	vst v2;
	v2 =	vsel vm1, $0x1, v0;
	(pc) =	sbr.rel @p1 .LBB2_3-.Ltmp1, $4  }
0x4c: {  	vm13 =	veq.s32 v1, $0x2;
	vm15 =	veq.s32 v1, $0x4;
	v1 =	vsel vm14, $0x1, v0;
	[tilespmem:s25+$0x0] =	vst v2  }
0x4d: {  	v2 =	vsel vm13, $0x1, v0;
	[tilespmem:s29+$0x0] =	vst v1  }
0x4e: {  	v1 =	vsel vm15, $0x1, v0;
	[tilespmem:s3+$0x0] =	vst v2  }
0x4f: {  	[tilespmem:s14+$0x0] =	vst v1  }
0x50: {  	s3 =	sshll.u32 s0, $0x12  }
0x51: {  	s3 =	sor.u32 s5, s3  }
0x52: {  	s2 =	rddreg [dreg:$0x1];
	s9 =	sshrl.u32 s3, $0x3  }
0x53: {  	s21 =	simm.s32 $0x2000;
	s7 =	sadd.s32 s2, s9  }
0x54: {  	[hbm4b:s7+s4] =	stream.linear.scatter [tilespmem:s21], [sflag:$0x3], $0x1000, $0x38;
	[tilespmem:$0xC000] =	vst v63  }
0x55: {  	s22 =	simm.s32 $0x3000;
	s6 =	sadd.s32 $0x64000, s7  }
0x56: {  	[hbm4b:s6+s4] =	stream.linear.scatter [tilespmem:s22], [sflag:$0x3], $0x1000, $0x38;
	[tilespmem:$0xC000] =	vst v63  }
0x57: {  	s24 =	simm.s32 $0x4000;
	s26 =	simm.s32 $0x5000;
	s23 =	sadd.s32 $0xC8000, s7  }
0x58: {  	[hbm4b:s23+s4] =	stream.linear.scatter [tilespmem:s24], [sflag:$0x3], $0x1000, $0x38;
	[tilespmem:$0xC000] =	vst v63  }
0x59: {  	s29 =	simm.s32 $0x6000;
	s3 =	sadd.s32 $0x40000, s3;
	s25 =	sadd.s32 $0x12C000, s7  }
0x5a: {  	[hbm4b:s25+s4] =	stream.linear.scatter [tilespmem:s26], [sflag:$0x3], $0x1000, $0x38;
	[tilespmem:$0xC000] =	vst v63  }
0x5b: {  	s30 =	rddreg [dreg:$0x0];
	s3 =	sshrl.u32 s3, $0x3;
	s28 =	sadd.s32 $0x190000, s7  }
0x5c: {  	[hbm4b:s28+s4] =	stream.linear.scatter [tilespmem:s29], [sflag:$0x3], $0x1000, $0x38;
	[tilespmem:$0xC000] =	vst v63  }
0x5d: {  	s31 =	simm.s32 $0x2;
	s3 =	sadd.s32 s30, s3  }
0x5e: {  	[tilespmem:s4], [sflag:$0x1] =	stream.linear.gather [hbm4b:s3+s4], $0x1000, $0x38;
	[tilespmem:$0xC000] =	vst v63  }
0x5f: {  	_ =	swait.ge [sflag:s31], $0x1000  }
0x60: {  	[sflag:s31] =	ssyncset.done $0x0  }
0x61: {  	s3 =	simm.s32 @!p0 $0x4;
	[sflag:s31] =	ssyncadd.s32 $0xFFFFF000  }
0x62: {  	_ =	swait.ge @!p0 [sflag:s3], $0x1000  }
0x63: {  	[sflag:s3] =	ssyncset.done @!p0 $0x0  }
0x64: {  	[sflag:s3] =	ssyncadd.s32 @!p0 $0xFFFFF000  }
0x65: {  	_ =	swait.ge @!p0 [sflag:s3], $0x1000  }
0x66: {  	[sflag:s3] =	ssyncset.done @!p0 $0x0  }
0x67: {  	[sflag:s3] =	ssyncadd.s32 @!p0 $0xFFFFF000  }
0x68: {  	_ =	swait.ge @!p0 [sflag:s3], $0x1000  }
0x69: {  	[sflag:s3] =	ssyncset.done @!p0 $0x0  }
0x6a: {  	[sflag:s3] =	ssyncadd.s32 @!p0 $0xFFFFF000  }
0x6b: {  	_ =	swait.ge @!p0 [sflag:s3], $0x1000  }
0x6c: {  	[sflag:s3] =	ssyncset.done @!p0 $0x0  }
0x6d: {  	[sflag:s3] =	ssyncadd.s32 @!p0 $0xFFFFF000  }
0x6e: {  	_ =	swait.ge @!p0 [sflag:s3], $0x1000  }
0x6f: {  	[sflag:s3] =	ssyncset.done @!p0 $0x0  }
0x70: {  	s10 =	simm.s32 $0x0;
	s11 =	simm.s32 $0x0;
	[sflag:s3] =	ssyncadd.s32 @!p0 $0xFFFFF000  }
.LBB2_7:
0x71: {  	s12 =	sshll.u32 s11, $0x7;
	s3 =	sand.u32 $0xC00, s10  }
0x72: {  	s15 =	sand.u32 $0x60, s10;
	s17 =	sor.u32 s12, s3  }
0x73: {  	s18 =	sor.u32 s15, s17  }
0x74: {  	v1 =	vld [tilespmem:s18+$0x1000];
	_ =	sdelay $0x4  }
0x75: {  	s13 =	sadd.s32 $0xA000, s12;
	vm0 =	veq.s32 v1, $0x0  }
0x76: {  	s6 =	sadd.s32 $0x8000, s12;
	s19 =	sadd.s32 s3, s13;
	vm13 =	veq.s32 v1, $0x3;
	v2 =	vsel vm0, $0x1, v0  }
0x77: {  	s14 =	sadd.s32 $0xB000, s12;
	s22 =	sadd.s32 s3, s6;
	s21 =	sadd.s32 s15, s19;
	vm1 =	veq.s32 v1, $0x1;
	[tilespmem:s18+$0x7000] =	vst v2;
	v2 =	vsel vm13, $0x1, v0  }
0x78: {  	s31 =	sadd.s32 $0x9000, s12;
	s20 =	sadd.s32 s3, s14;
	s25 =	sadd.s32 s15, s22;
	vm14 =	veq.s32 v1, $0x4;
	vm15 =	veq.s32 v1, $0x2;
	v1 =	vsel vm1, $0x1, v0;
	[tilespmem:s21+$0x0] =	vst v2  }
0x79: {  	s24 =	sor.u32 $0x10, s15;
	s3 =	sadd.s32 s3, s31;
	s23 =	sadd.s32 s15, s20;
	v2 =	vsel vm14, $0x1, v0;
	[tilespmem:s25+$0x0] =	vst v1  }
0x7a: {  	s29 =	simm.s32 $0x0;
	s28 =	sor.u32 s24, s17;
	s15 =	sadd.s32 s15, s3;
	[tilespmem:s23+$0x0] =	vst v2;
	v2 =	vsel vm15, $0x1, v0  }
0x7b: {  	s26 =	sadd.s32 s24, s22;
	s30 =	sadd.s32 s24, s20;
	s25 =	simm.s32 $0x0;
	[tilespmem:s15+$0x0] =	vst v2  }
0x7c: {  	s23 =	sadd.s32 s24, s3;
	s3 =	sadd.s32 s24, s19;
	s24 =	simm.s32 $0x0;
	v1 =	vld [tilespmem:s28+$0x1000]  }
.LBB2_8:
0x7d: {  	_ =	sdelay $0x1  }
0x7e: {  	s29 =	sadd.s32 $0x2, s29;
	s24 =	sadd.s32 $0x100, s24;
	s25 =	sadd.s32 $0x20, s25  }
0x7f: {  	p0 =	slt.u32 s29, $0x1E  }
0x80: {  	vm0 =	veq.s32 v1, $0x0;
	vm1 =	veq.s32 v1, $0x1;
	vm2 =	veq.s32 v1, $0x2  }
0x81: {  	vm3 =	veq.s32 v1, $0x4;
	v2 =	vsel vm0, $0x1, v0;
	vm0 =	veq.s32 v1, $0x3  }
0x82: {  	s15 =	sand.u32 $0xC00, s24;
	v1 =	vsel vm1, $0x1, v0;
	[tilespmem:s28+$0x7000] =	vst v2  }
0x83: {  	s17 =	sand.u32 $0x60, s25;
	s18 =	sor.u32 s12, s15;
	s19 =	sadd.s32 s15, s13;
	[tilespmem:s26+$0x0] =	vst v1;
	v1 =	vsel vm2, $0x1, v0  }
0x84: {  	s21 =	sadd.s32 s15, s6;
	s20 =	sor.u32 s17, s18;
	s28 =	sadd.s32 s15, s14;
	[tilespmem:s23+$0x0] =	vst v1;
	v1 =	vsel vm0, $0x1, v0  }
0x85: {  	s2 =	sadd.s32 s17, s21;
	s15 =	sadd.s32 s15, s31;
	s8 =	sadd.s32 s17, s28;
	[tilespmem:s3+$0x0] =	vst v1;
	v1 =	vsel vm3, $0x1, v0  }
0x86: {  	s22 =	sadd.s32 s17, s19;
	s16 =	sadd.s32 s17, s15;
	s17 =	sor.u32 $0x10, s17;
	[tilespmem:s30+$0x0] =	vst v1  }
0x87: {  	s26 =	sadd.s32 s17, s21;
	s23 =	sadd.s32 s17, s15;
	s3 =	sadd.s32 s17, s19;
	v1 =	vld [tilespmem:s20+$0x1000]  }
0x88: {  	s30 =	sadd.s32 s17, s28;
	_ =	sdelay $0x3  }
0x89: {  	vm0 =	veq.s32 v1, $0x0;
	vm1 =	veq.s32 v1, $0x1;
	vm2 =	veq.s32 v1, $0x2  }
0x8a: {  	v2 =	vsel vm0, $0x1, v0;
	v3 =	vsel vm1, $0x1, v0;
	vm0 =	veq.s32 v1, $0x3  }
0x8b: {  	[tilespmem:s20+$0x7000] =	vst v2;
	v2 =	vsel vm0, $0x1, v0;
	vm0 =	veq.s32 v1, $0x4  }
.Ltmp2:
0x8c: {  	v1 =	vsel vm2, $0x1, v0;
	[tilespmem:s22+$0x0] =	vst v2;
	v2 =	vsel vm0, $0x1, v0;
	(pc) =	sbr.rel @p0 .LBB2_8-.Ltmp2, $4  }
0x8d: {  	[tilespmem:s8+$0x0] =	vst v2  }
0x8e: {  	[tilespmem:s2+$0x0] =	vst v3  }
0x8f: {  	s28 =	sor.u32 s17, s18;
	[tilespmem:s16+$0x0] =	vst v1  }
0x90: {  	v1 =	vld [tilespmem:s28+$0x1000]  }
0x91: {  	_ =	sdelay $0x3  }
0x92: {  	s11 =	sadd.s32 $0x1, s11;
	vm0 =	veq.s32 v1, $0x0  }
0x93: {  	p0 =	sne.s32 s11, $0x8;
	vm1 =	veq.s32 v1, $0x1;
	v2 =	vsel vm0, $0x1, v0  }
.Ltmp3:
0x94: {  	vm14 =	veq.s32 v1, $0x3;
	[tilespmem:s28+$0x7000] =	vst v2;
	v2 =	vsel vm1, $0x1, v0;
	(pc) =	sbr.rel @p0 .LBB2_7-.Ltmp3, $4  }
0x95: {  	vm13 =	veq.s32 v1, $0x2;
	vm15 =	veq.s32 v1, $0x4;
	v1 =	vsel vm14, $0x1, v0;
	[tilespmem:s26+$0x0] =	vst v2  }
0x96: {  	v2 =	vsel vm13, $0x1, v0;
	[tilespmem:s3+$0x0] =	vst v1  }
0x97: {  	v1 =	vsel vm15, $0x1, v0;
	[tilespmem:s23+$0x0] =	vst v2  }
0x98: {  	[tilespmem:s30+$0x0] =	vst v1  }
0x99: {  	s2 =	rddreg [dreg:$0x5];
	s3 =	simm.s32 $0x7000;
	s21 =	sadd.s32 $0x68000, s7  }
0x9a: {  	s22 =	simm.s32 $0x8000;
	s23 =	sadd.s32 $0xCC000, s7;
	s2 =	sadd.s32 s9, s2  }
0x9b: {  	[hbm4b:s2+s4] =	stream.linear.scatter [tilespmem:s3], [sflag:$0x4], $0x1000, $0x38;
	[tilespmem:$0xC000] =	vst v63  }
0x9c: {  	s24 =	simm.s32 $0x9000;
	s25 =	sadd.s32 $0x130000, s7;
	s1 =	sadd.s32 $0x3, s1  }
0x9d: {  	[hbm4b:s21+s4] =	stream.linear.scatter [tilespmem:s22], [sflag:$0x4], $0x1000, $0x38;
	[tilespmem:$0xC000] =	vst v63  }
0x9e: {  	s0 =	sadd.s32 $0x1, s0;
	p0 =	seq.s32 s1, $0x19;
	s1 =	sshll.u32 s1, $0x11  }
0x9f: {  	[hbm4b:s23+s4] =	stream.linear.scatter [tilespmem:s24], [sflag:$0x4], $0x1000, $0x38;
	[tilespmem:$0xC000] =	vst v63  }
0xa0: {  	s26 =	simm.s32 $0xA000;
	s1 =	simm.s32 @p0 $0x0;
	p0 =	sne.s32 s0, $0xC  }
0xa1: {  	[hbm4b:s25+s4] =	stream.linear.scatter [tilespmem:s26], [sflag:$0x4], $0x1000, $0x38;
	[tilespmem:$0xC000] =	vst v63  }
.Ltmp4:
0xa2: {  	s28 =	sadd.s32 $0x194000, s7;
	s1 =	sor.u32 s5, s1;
	(pc) =	sbr.rel @p0 .LBB2_2-.Ltmp4, $4  }
0xa3: {  	s29 =	simm.s32 $0xB000;
	s30 =	rddreg [dreg:$0x0];
	s1 =	sshrl.u32 s1, $0x3  }
0xa4: {  	[hbm4b:s28+s4] =	stream.linear.scatter [tilespmem:s29], [sflag:$0x4], $0x1000, $0x38;
	[tilespmem:$0xC000] =	vst v63  }
0xa5: {  	s31 =	simm.s32 $0x1000;
	s1 =	sadd.s32 s30, s1  }
0xa6: {  	[tilespmem:s31], [sflag:$0x2] =	stream.linear.gather [hbm4b:s1+s4], $0x1000, $0x38;
	[tilespmem:$0xC000] =	vst v63  }
0xa7: {  	s0 =	simm.s32 $0x1  }
0xa8: {  	_ =	swait.ge [sflag:s0], $0x1000  }
0xa9: {  	[sflag:s0] =	ssyncset.done $0x0  }
0xaa: {  	s28 =	simm.s32 $0x3;
	[sflag:s0] =	ssyncadd.s32 $0xFFFFF000  }
0xab: {  	_ =	swait.ge [sflag:s28], $0x1000  }
0xac: {  	[sflag:s28] =	ssyncset.done $0x0  }
0xad: {  	[sflag:s28] =	ssyncadd.s32 $0xFFFFF000  }
0xae: {  	_ =	swait.ge [sflag:s28], $0x1000  }
0xaf: {  	[sflag:s28] =	ssyncset.done $0x0  }
0xb0: {  	[sflag:s28] =	ssyncadd.s32 $0xFFFFF000  }
0xb1: {  	_ =	swait.ge [sflag:s28], $0x1000  }
0xb2: {  	[sflag:s28] =	ssyncset.done $0x0  }
0xb3: {  	[sflag:s28] =	ssyncadd.s32 $0xFFFFF000  }
0xb4: {  	_ =	swait.ge [sflag:s28], $0x1000  }
0xb5: {  	[sflag:s28] =	ssyncset.done $0x0  }
0xb6: {  	[sflag:s28] =	ssyncadd.s32 $0xFFFFF000  }
0xb7: {  	_ =	swait.ge [sflag:s28], $0x1000  }
0xb8: {  	[sflag:s28] =	ssyncset.done $0x0  }
0xb9: {  	s1 =	simm.s32 $0x0;
	s0 =	simm.s32 $0x0;
	[sflag:s28] =	ssyncadd.s32 $0xFFFFF000  }
.LBB2_12:
0xba: {  	s7 =	sshll.u32 s1, $0x7;
	s2 =	sand.u32 $0xC00, s0  }
0xbb: {  	s3 =	sand.u32 $0x60, s0;
	s8 =	sor.u32 s7, s2  }
0xbc: {  	s11 =	sor.u32 s3, s8  }
0xbd: {  	v1 =	vld [tilespmem:s11+$0x0];
	_ =	sdelay $0x4  }
0xbe: {  	s9 =	sadd.s32 $0x5000, s7;
	vm0 =	veq.s32 v1, $0x0  }
0xbf: {  	s6 =	sadd.s32 $0x3000, s7;
	s12 =	sadd.s32 s2, s9;
	vm13 =	veq.s32 v1, $0x3;
	v2 =	vsel vm0, $0x1, v0  }
0xc0: {  	s10 =	sadd.s32 $0x6000, s7;
	s14 =	sadd.s32 s2, s6;
	s13 =	sadd.s32 s3, s12;
	vm1 =	veq.s32 v1, $0x1;
	[tilespmem:s11+$0x2000] =	vst v2;
	v2 =	vsel vm13, $0x1, v0  }
0xc1: {  	s15 =	sadd.s32 s2, s10;
	s17 =	sadd.s32 s3, s14;
	vm14 =	veq.s32 v1, $0x4;
	vm15 =	veq.s32 v1, $0x2;
	v1 =	vsel vm1, $0x1, v0;
	s11 =	sadd.s32 $0x4000, s7;
	[tilespmem:s13+$0x0] =	vst v2  }
0xc2: {  	s23 =	simm.s32 $0x0;
	s16 =	sadd.s32 s3, s15;
	v2 =	vsel vm14, $0x1, v0;
	s2 =	sadd.s32 s2, s11;
	[tilespmem:s17+$0x0] =	vst v1  }
0xc3: {  	s24 =	simm.s32 $0x0;
	s18 =	sor.u32 $0x10, s3;
	[tilespmem:s16+$0x0] =	vst v2;
	s31 =	sadd.s32 s3, s2;
	v2 =	vsel vm15, $0x1, v0  }
0xc4: {  	s26 =	sor.u32 s18, s8;
	s25 =	sadd.s32 s18, s14;
	s13 =	simm.s32 $0x0;
	[tilespmem:s31+$0x0] =	vst v2  }
0xc5: {  	s14 =	sadd.s32 s18, s2;
	s3 =	sadd.s32 s18, s12;
	s12 =	sadd.s32 s18, s15;
	v1 =	vld [tilespmem:s26+$0x0]  }
.LBB2_13:
0xc6: {  	_ =	sdelay $0x1  }
0xc7: {  	s13 =	sadd.s32 $0x2, s13;
	s23 =	sadd.s32 $0x100, s23;
	s24 =	sadd.s32 $0x20, s24  }
0xc8: {  	p0 =	slt.u32 s13, $0x1E  }
0xc9: {  	vm0 =	veq.s32 v1, $0x0;
	vm1 =	veq.s32 v1, $0x1;
	vm2 =	veq.s32 v1, $0x2  }
0xca: {  	vm3 =	veq.s32 v1, $0x4;
	v2 =	vsel vm0, $0x1, v0;
	vm0 =	veq.s32 v1, $0x3  }
0xcb: {  	s2 =	sand.u32 $0xC00, s23;
	v1 =	vsel vm1, $0x1, v0;
	[tilespmem:s26+$0x2000] =	vst v2  }
0xcc: {  	s8 =	sand.u32 $0x60, s24;
	s15 =	sor.u32 s7, s2;
	s16 =	sadd.s32 s2, s9;
	[tilespmem:s25+$0x0] =	vst v1;
	v1 =	vsel vm2, $0x1, v0  }
0xcd: {  	s18 =	sadd.s32 s2, s6;
	s19 =	sadd.s32 s2, s10;
	s17 =	sor.u32 s8, s15;
	[tilespmem:s14+$0x0] =	vst v1;
	v1 =	vsel vm0, $0x1, v0  }
0xce: {  	s2 =	sadd.s32 s2, s11;
	s20 =	sadd.s32 s8, s18;
	s21 =	sadd.s32 s8, s19;
	[tilespmem:s3+$0x0] =	vst v1;
	v1 =	vsel vm3, $0x1, v0  }
0xcf: {  	s22 =	sadd.s32 s8, s2;
	s26 =	sadd.s32 s8, s16;
	s8 =	sor.u32 $0x10, s8;
	[tilespmem:s12+$0x0] =	vst v1  }
0xd0: {  	s25 =	sadd.s32 s8, s18;
	s14 =	sadd.s32 s8, s2;
	s3 =	sadd.s32 s8, s16;
	v1 =	vld [tilespmem:s17+$0x0]  }
0xd1: {  	s12 =	sadd.s32 s8, s19;
	_ =	sdelay $0x3  }
0xd2: {  	vm0 =	veq.s32 v1, $0x0;
	vm1 =	veq.s32 v1, $0x1;
	vm2 =	veq.s32 v1, $0x2  }
0xd3: {  	v2 =	vsel vm0, $0x1, v0;
	v3 =	vsel vm1, $0x1, v0;
	vm0 =	veq.s32 v1, $0x3  }
0xd4: {  	[tilespmem:s17+$0x2000] =	vst v2;
	v2 =	vsel vm0, $0x1, v0;
	vm0 =	veq.s32 v1, $0x4  }
.Ltmp5:
0xd5: {  	v1 =	vsel vm2, $0x1, v0;
	[tilespmem:s26+$0x0] =	vst v2;
	v2 =	vsel vm0, $0x1, v0;
	(pc) =	sbr.rel @p0 .LBB2_13-.Ltmp5, $4  }
0xd6: {  	[tilespmem:s21+$0x0] =	vst v2  }
0xd7: {  	[tilespmem:s20+$0x0] =	vst v3  }
0xd8: {  	s26 =	sor.u32 s8, s15;
	[tilespmem:s22+$0x0] =	vst v1  }
0xd9: {  	v1 =	vld [tilespmem:s26+$0x0]  }
0xda: {  	_ =	sdelay $0x3  }
0xdb: {  	s1 =	sadd.s32 $0x1, s1;
	vm0 =	veq.s32 v1, $0x0  }
0xdc: {  	p0 =	sne.s32 s1, $0x8;
	vm1 =	veq.s32 v1, $0x1;
	v2 =	vsel vm0, $0x1, v0  }
.Ltmp6:
0xdd: {  	vm14 =	veq.s32 v1, $0x3;
	[tilespmem:s26+$0x2000] =	vst v2;
	v2 =	vsel vm1, $0x1, v0;
	(pc) =	sbr.rel @p0 .LBB2_12-.Ltmp6, $4  }
0xde: {  	vm13 =	veq.s32 v1, $0x2;
	vm15 =	veq.s32 v1, $0x4;
	v1 =	vsel vm14, $0x1, v0;
	[tilespmem:s25+$0x0] =	vst v2  }
0xdf: {  	v2 =	vsel vm13, $0x1, v0;
	[tilespmem:s3+$0x0] =	vst v1  }
0xe0: {  	v1 =	vsel vm15, $0x1, v0;
	[tilespmem:s14+$0x0] =	vst v2  }
0xe1: {  	[tilespmem:s12+$0x0] =	vst v1  }
0xe2: {  	s0 =	rddreg [dreg:$0x6];
	s1 =	simm.s32 $0x2000  }
0xe3: {  	[hbm4b:s0+s4] =	stream.linear.scatter [tilespmem:s1], [sflag:$0x3], $0x1000, $0x38;
	[tilespmem:$0xC000] =	vst v63  }
0xe4: {  	s18 =	rddreg [dreg:$0x7];
	s19 =	simm.s32 $0x3000  }
0xe5: {  	[hbm4b:s18+s4] =	stream.linear.scatter [tilespmem:s19], [sflag:$0x3], $0x1000, $0x38;
	[tilespmem:$0xC000] =	vst v63  }
0xe6: {  	s20 =	rddreg [dreg:$0x8];
	s21 =	simm.s32 $0x4000  }
0xe7: {  	[hbm4b:s20+s4] =	stream.linear.scatter [tilespmem:s21], [sflag:$0x3], $0x1000, $0x38;
	[tilespmem:$0xC000] =	vst v63  }
0xe8: {  	s22 =	rddreg [dreg:$0x9];
	s23 =	simm.s32 $0x5000  }
0xe9: {  	[hbm4b:s22+s4] =	stream.linear.scatter [tilespmem:s23], [sflag:$0x3], $0x1000, $0x38;
	[tilespmem:$0xC000] =	vst v63  }
0xea: {  	s24 =	rddreg [dreg:$0xa];
	s25 =	simm.s32 $0x6000;
	s26 =	simm.s32 $0x4  }
0xeb: {  	[hbm4b:s24+s4] =	stream.linear.scatter [tilespmem:s25], [sflag:$0x3], $0x1000, $0x38;
	[tilespmem:$0xC000] =	vst v63  }
0xec: {  	_ =	swait.ge [sflag:s26], $0x1000  }
0xed: {  	[sflag:s26] =	ssyncset.done $0x0  }
0xee: {  	[sflag:s26] =	ssyncadd.s32 $0xFFFFF000  }
0xef: {  	_ =	swait.ge [sflag:s26], $0x1000  }
0xf0: {  	[sflag:s26] =	ssyncset.done $0x0  }
0xf1: {  	[sflag:s26] =	ssyncadd.s32 $0xFFFFF000  }
0xf2: {  	_ =	swait.ge [sflag:s26], $0x1000  }
0xf3: {  	[sflag:s26] =	ssyncset.done $0x0  }
0xf4: {  	[sflag:s26] =	ssyncadd.s32 $0xFFFFF000  }
0xf5: {  	_ =	swait.ge [sflag:s26], $0x1000  }
0xf6: {  	[sflag:s26] =	ssyncset.done $0x0  }
0xf7: {  	[sflag:s26] =	ssyncadd.s32 $0xFFFFF000  }
0xf8: {  	_ =	swait.ge [sflag:s26], $0x1000  }
0xf9: {  	[sflag:s26] =	ssyncset.done $0x0  }
0xfa: {  	s29 =	simm.s32 $0x2;
	[sflag:s26] =	ssyncadd.s32 $0xFFFFF000  }
0xfb: {  	_ =	swait.ge [sflag:s29], $0x1000  }
0xfc: {  	[sflag:s29] =	ssyncset.done $0x0  }
0xfd: {  	[sflag:s29] =	ssyncadd.s32 $0xFFFFF000  }
0xfe: {  	_ =	swait.ge [sflag:s28], $0x1000  }
0xff: {  	[sflag:s28] =	ssyncset.done $0x0  }
0x100: {  	[sflag:s28] =	ssyncadd.s32 $0xFFFFF000  }
0x101: {  	_ =	swait.ge [sflag:s28], $0x1000  }
0x102: {  	[sflag:s28] =	ssyncset.done $0x0  }
0x103: {  	[sflag:s28] =	ssyncadd.s32 $0xFFFFF000  }
0x104: {  	_ =	swait.ge [sflag:s28], $0x1000  }
0x105: {  	[sflag:s28] =	ssyncset.done $0x0  }
0x106: {  	[sflag:s28] =	ssyncadd.s32 $0xFFFFF000  }
0x107: {  	_ =	swait.ge [sflag:s28], $0x1000  }
0x108: {  	[sflag:s28] =	ssyncset.done $0x0  }
0x109: {  	[sflag:s28] =	ssyncadd.s32 $0xFFFFF000  }
0x10a: {  	_ =	swait.ge [sflag:s28], $0x1000  }
0x10b: {  	s30 =	rddreg [dreg:$0xc]  }
0x10c: {  	s31 =	rddreg [dreg:$0xb];
	s1 =	sadd.s32 $0x1, s30  }
0x10d: {  	p0 =	sne.s32 s1, s31  }
.Ltmp7:
0x10e: {  	_ = 	snop;
	(pc) =	sbr.rel @p0 .LBB2_1-.Ltmp7, $3  }
0x10f: {  	_ =	sdelay $0x1  }
0x110: {  	[sflag:s28] =	ssyncset.done $0x0  }
0x111: {  	[sflag:s28] =	ssyncadd.s32 $0xFFFFF000  }
0x112: {  	_ =	sfence.sel $0x180000  }
0x113: {  	[bflag:$0x0] =	sbarrier.arrive $0xFFFF  }
0x114: {  	_ =	strace $0x90000047  }
0x115: {  	s0 =	stileid.u32;
	[bflag:$0x2] =	sbarrier.arrive $0xFFFF  }
0x116: {  	p0 =	sne.s32 s0, $0x0;
	s0 =	rddreg [dreg:$0x2]  }
0x117: {  	s0 =	sadd.s32 @!p0 $0x100000, s0  }
0x118: {  	[sflag:s0] =	ssyncadd.tile.s32 @!p0 $0x1;
	_ =	shalt  }
.Lfunc_end2:
_tile_overlayer_lowered:
.L_overlay_start_2:
0x119: {  	(tag) =	ssettag $0x2  }
0x11a: {  	s0 =	rddreg [dreg:$0x0];
	s2 =	stileid.u32  }
0x11b: {  	s1 =	rddreg [dreg:$0x1];
	p0 =	sne.s32 s2, $0x0  }
0x11c: {  	s3 =	rddreg [dreg:$0x2];
	[bflag:$0x3] =	sbarrier.arrive $0xFFFF;
	s2 =	simm.s32 @!p0 $0x1C05  }
0x11d: {  	[timem:s3], [sflag:s2] =	dma.local @!p0 [hbm:s0], s1  }
0x11e: {  	s0 =	simm.s32 @!p0 $0x5  }
0x11f: {  	_ =	swait.ge @!p0 [sflag:s0], s1  }
0x120: {  	s1 =	ssub.s32 @!p0 $0x0, s1;
	[sflag:s0] =	ssyncset.done @!p0 $0x0  }
0x121: {  	[sflag:s0] =	ssyncadd.s32 @!p0 s1  }
0x122: {  	[bflag:$0x3] =	sbarrier.arrive $0xFFFF  }
0x123: {  	_ =	shalt  }

</sc_bundles>
